<compile_context>
chip_gen: v7x
topology: tpu7x:2x2x1
jax: 0.10.2.dev20260603
libtpu: 0.0.44.dev20260713+nightly
codegen_flags: <defaults>
</compile_context>

<pallas_src>
import math

import jax
import jax.numpy as jnp
from jax import lax
from jax.experimental import pallas as pl
from jax.experimental.pallas import tpu as pltpu
from jax.experimental.pallas import tpu_sc as plsc

_VOCAB = 1000000
_D = 64
_PAD = 1
_B = 1024
_S = 200

_NC = 2
_NS = 16
_NW = _NC * _NS
_B_PER_W = _B // _NW

_TBLK = 2048
_NBLK = -(-_VOCAB // _TBLK)
_EROWS = _NBLK * _TBLK

_SA = 104
_SB = _S - _SA

_SCALE = math.sqrt(_D)


def _t(m, n):
  eye = jnp.eye(n, dtype=jnp.float32)
  return lax.dot_general(m, eye, (((0,), (0,)), ((), ())),
                         preferred_element_type=jnp.float32)


def _repack_body(in_ref, out_ref):
  blk = in_ref[...]
  out_ref[:, 0:_D] = _t(blk, _D)


def _repack(embed_t):
  return pl.pallas_call(
      _repack_body,
      out_shape=jax.ShapeDtypeStruct((_EROWS, 128), jnp.float32),
      grid=(_NBLK,),
      in_specs=[pl.BlockSpec((_D, _TBLK), lambda j: (0, j))],
      out_specs=pl.BlockSpec((_TBLK, 128), lambda j: (j, 0)),
  )(embed_t)


def _sc_body(tok_hbm, emb_hbm, pos_hbm,
             e_hbm, posr_hbm, mask_hbm,
             tok32, mask32, pid_v, xid_a, xid_b, erows, prows, sem):
  cid = lax.axis_index("c")
  sid = lax.axis_index("s")
  wid = sid * _NC + cid
  b0 = wid * _B_PER_W
  iota = lax.iota(jnp.int32, 16)

  pltpu.sync_copy(tok_hbm.at[pl.ds(b0, _B_PER_W), :], tok32)

  def row_body(r, _):
    b = b0 + r

    def chunk(c, carry):
      off = pl.multiple_of(c * 16, 16)
      t = tok32[r, pl.ds(off, 16)]
      nonpad = jnp.where(t != _PAD, 1, 0).astype(jnp.int32)
      cs = plsc.cumsum(nonpad) + carry
      pid_v[pl.ds(off, 16)] = cs * nonpad + 1
      mask32[r, pl.ds(off, 16)] = 1 - nonpad
      xs = off + iota
      xid = xs * _B + b
      pl.when(off < _SA)(lambda: plsc.store_scatter(xid_a, [xs], xid))

      def _xb():
        plsc.store_scatter(xid_b, [xs - _SA], xid)

      pl.when(off >= _SA)(_xb)
      return carry + jnp.sum(nonpad)

    carry = lax.fori_loop(0, (_S - 8) // 16, chunk, jnp.int32(0))

    t = tok32[r, pl.ds(_S - 16, 16)]
    fresh = iota >= 8
    nonpad = jnp.where(t != _PAD, 1, 0).astype(jnp.int32)
    cs = plsc.cumsum(nonpad * fresh.astype(jnp.int32)) + carry
    xs = (_S - 16) + iota
    plsc.store_scatter(pid_v, [xs], cs * nonpad + 1, mask=fresh)
    plsc.store_scatter(mask32, [jnp.full((16,), r, jnp.int32), xs],
                       1 - nonpad, mask=fresh)
    plsc.store_scatter(xid_b, [xs - _SA], xs * _B + b, mask=fresh)

    h0 = pltpu.async_copy(emb_hbm.at[tok32.at[r, pl.ds(0, _SA)]],
                          erows.at[pl.ds(0, _SA)], sem)
    h1 = pltpu.async_copy(emb_hbm.at[tok32.at[r, pl.ds(_SA, _SB)]],
                          erows.at[pl.ds(_SA, _SB)], sem)
    h2 = pltpu.async_copy(pos_hbm.at[pid_v.at[pl.ds(0, _SA)]],
                          prows.at[pl.ds(0, _SA)], sem)
    h3 = pltpu.async_copy(pos_hbm.at[pid_v.at[pl.ds(_SA, _SB)]],
                          prows.at[pl.ds(_SA, _SB)], sem)
    h0.wait()
    h1.wait()
    h2.wait()
    h3.wait()

    pltpu.sync_copy(prows, posr_hbm.at[pl.ds(b * _S, _S), :])
    w0 = pltpu.async_copy(erows.at[pl.ds(0, _SA)], e_hbm.at[xid_a], sem)
    w1 = pltpu.async_copy(erows.at[pl.ds(_SA, _SB)], e_hbm.at[xid_b], sem)
    w0.wait()
    w1.wait()
    return 0

  lax.fori_loop(0, _B_PER_W, row_body, 0)
  pltpu.sync_copy(mask32, mask_hbm.at[pl.ds(b0, _B_PER_W), :])


def _sc_call(src_tokens, etab, pos128):
  mesh = plsc.VectorSubcoreMesh(core_axis_name="c", subcore_axis_name="s")
  out_type = (
      jax.ShapeDtypeStruct((_S * _B, 128), jnp.float32),
      jax.ShapeDtypeStruct((_B * _S, 128), jnp.float32),
      jax.ShapeDtypeStruct((_B, _S), jnp.int32),
  )
  scratch = [
      pltpu.VMEM((_B_PER_W, _S), jnp.int32),
      pltpu.VMEM((_B_PER_W, _S), jnp.int32),
      pltpu.VMEM((_S + 8,), jnp.int32),
      pltpu.VMEM((_SA,), jnp.int32),
      pltpu.VMEM((_SB,), jnp.int32),
      pltpu.VMEM((_S, 128), jnp.float32),
      pltpu.VMEM((_S, 128), jnp.float32),
      pltpu.SemaphoreType.DMA,
  ]
  run = pl.kernel(
      _sc_body, mesh=mesh, out_type=out_type, scratch_types=scratch,
      compiler_params=pltpu.CompilerParams(
          use_tc_tiling_on_sc=False, needs_layout_passes=False))
  return run(src_tokens, etab, pos128)


def _combine_body(e_ref, pos_ref, x_ref, ppos_ref):
  e = e_ref[...]
  pos = pos_ref[...]
  for k in range(8):
    pk = pos[:, k, 0:_D]
    xk = e[k][:, 0:_D] * _SCALE + pk
    x_ref[k] = _t(xk, 128)
    ppos_ref[k] = _t(pk, 128)


def _combine(e3, pos3):
  return pl.pallas_call(
      _combine_body,
      out_shape=(
          jax.ShapeDtypeStruct((_S, _D, _B), jnp.float32),
          jax.ShapeDtypeStruct((_S, _D, _B), jnp.float32),
      ),
      grid=(_B // 128, _S // 8),
      in_specs=[
          pl.BlockSpec((8, 128, 128), lambda j, sb: (sb, j, 0)),
          pl.BlockSpec((128, 8, 128), lambda j, sb: (j, sb, 0)),
      ],
      out_specs=(
          pl.BlockSpec((8, _D, 128), lambda j, sb: (sb, 0, j)),
          pl.BlockSpec((8, _D, 128), lambda j, sb: (sb, 0, j)),
      ),
  )(e3, pos3)


@jax.jit
def _impl(src_tokens, embed_table, pos_table):
  etab = _repack(embed_table.T)
  pos128 = jnp.concatenate([pos_table, pos_table], axis=1)
  e512, posr, mask_i32 = _sc_call(src_tokens, etab, pos128)
  xt, ppt = _combine(
      e512.reshape(_S, _B, 128), posr.reshape(_B, _S, 128))
  x = jnp.transpose(xt, (0, 2, 1))
  positions = jnp.transpose(ppt, (2, 0, 1))
  return x, mask_i32.astype(jnp.bool_), positions


def kernel(src_tokens, src_lengths, embed_table, pos_table):
  del src_lengths
  return _impl(src_tokens.astype(jnp.int32), embed_table, pos_table)

# --- scband reference (transcript-rebuilt; emitter-appended) ---
"""Pipeline reference for scband-transformer-embedding-43336220016670 (READ-ONLY COPY).

The authoritative reference and input builder live on the scoring server;
editing this copy changes nothing except your own understanding.
"""

import jax, jax.numpy as jnp
import numpy as np
import math

VOCAB = 1000000
EMBED_DIM = 64
PAD_IDX = 1
MAX_POS = 1024
B, S = 1024, 200

def setup_inputs(seed: int = 0) -> dict:
    key = jax.random.key(seed)
    k1, k2, k3, k4 = jax.random.split(key, 4)
    src_tokens = jax.random.randint(k1, (B, S), 0, VOCAB, dtype=jnp.int64 if jax.config.jax_enable_x64 else jnp.int32)
    src_lengths = jax.random.randint(k2, (B,), 0, S, dtype=jnp.int64 if jax.config.jax_enable_x64 else jnp.int32)
    embed_table = jax.random.normal(k3, (VOCAB, EMBED_DIM), dtype=jnp.float32) * 0.02
    # fairseq LearnedPositionalEmbedding allocates max_positions + padding_idx + 1 rows
    pos_table = jax.random.normal(k4, (MAX_POS + PAD_IDX + 1, EMBED_DIM), dtype=jnp.float32) * 0.02
    return {"src_tokens": src_tokens, "src_lengths": src_lengths, "embed_table": embed_table, "pos_table": pos_table}

def reference(src_tokens, src_lengths, embed_table, pos_table):
    embed_scale = math.sqrt(EMBED_DIM)
    # token embedding lookup (gather) + scale
    x = jnp.take(embed_table, src_tokens, axis=0) * embed_scale
    # fairseq make_positions for learned positional embedding
    mask = (src_tokens != PAD_IDX).astype(jnp.int32)
    pos_idx = jnp.cumsum(mask, axis=1) * mask + PAD_IDX
    positions = jnp.take(pos_table, pos_idx, axis=0)
    x = x + positions
    # dropout is identity in eval mode
    x = jnp.transpose(x, (1, 0, 2))  # [S, B, D]
    encoder_padding_mask = (src_tokens == PAD_IDX)
    return (x, encoder_padding_mask, positions)

if __name__ == "__main__":
    import jax
    _d = setup_inputs()
    print(jax.jit(kernel)(*tuple(_d.values())))

</pallas_src>

<mosaic_0001>
#map = affine_map<(d0, d1) -> (0, 0)>
module attributes {stable_mosaic.version = 14 : i64} {
  func.func @_sc_body(%arg0: i32, %arg1: i32, %arg2: memref<1024x200xi32, #tpu.memory_space<hbm>>, %arg3: memref<1001472x128xf32, #tpu.memory_space<hbm>>, %arg4: memref<1026x128xf32, #tpu.memory_space<hbm>>, %arg5: memref<204800x128xf32, #tpu.memory_space<hbm>>, %arg6: memref<204800x128xf32, #tpu.memory_space<hbm>>, %arg7: memref<1024x200xi32, #tpu.memory_space<hbm>>, %arg8: memref<32x200xi32, #tpu.memory_space<vmem>>, %arg9: memref<32x200xi32, #tpu.memory_space<vmem>>, %arg10: memref<208xi32, #tpu.memory_space<vmem>>, %arg11: memref<104xi32, #tpu.memory_space<vmem>>, %arg12: memref<96xi32, #tpu.memory_space<vmem>>, %arg13: memref<200x128xf32, #tpu.memory_space<vmem>>, %arg14: memref<200x128xf32, #tpu.memory_space<vmem>>, %arg15: memref<!tpu.dma_semaphore, #tpu.memory_space<semaphore_mem>>) attributes {dimension_semantics = [#tpu.dimension_semantics<core_parallel>, #tpu.dimension_semantics<subcore_parallel>], iteration_bounds = array<i64: 2, 16>, scalar_prefetch = 0 : i64, scratch_operands = 8 : i64, tpu.core_type = #tpu.core_type<sc_vector_subcore>, window_params = [{transform_indices = #map}, {transform_indices = #map}, {transform_indices = #map}, {transform_indices = #map}, {transform_indices = #map}, {transform_indices = #map}]} {
    %mul3A = arith.constant 2 : i32
    %mul3A_0 = arith.muli %arg1, %mul3A : i32
    %add3A = arith.addi %mul3A_0, %arg0 : i32
    %mul3A_1 = arith.constant 32 : i32
    %mul3A_2 = arith.muli %add3A, %mul3A_1 : i32
    %iota3A = tpu.iota {dimensions = array<i32: 0>} : vector<16xi32>
    "tpu.region"() ({
      %run_scoped3A = tpu.sem_alloc : memref<!tpu.dma_semaphore, #tpu.memory_space<semaphore_mem>>
      %dma_start3A = arith.constant 0 : i32
      %dma_start3A_9 = tpu.memref_slice %arg2[%mul3A_2, %dma_start3A] : memref<1024x200xi32, #tpu.memory_space<hbm>> -> memref<32x200xi32, #tpu.memory_space<hbm>>
      %dma_start3A_10 = arith.constant 0 : i32
      %dma_start3A_11 = tpu.memref_slice %arg2[%mul3A_2, %dma_start3A_10] : memref<1024x200xi32, #tpu.memory_space<hbm>> -> memref<32x200xi32, #tpu.memory_space<hbm>>
      tpu.enqueue_dma source(%dma_start3A_11 : memref<32x200xi32, #tpu.memory_space<hbm>>) target(%arg8 : memref<32x200xi32, #tpu.memory_space<vmem>>) target_semaphore(%run_scoped3A : memref<!tpu.dma_semaphore, #tpu.memory_space<semaphore_mem>>)
      %dma_wait3A = arith.constant 0 : i32
      %dma_wait3A_12 = tpu.memref_slice %arg2[%mul3A_2, %dma_wait3A] : memref<1024x200xi32, #tpu.memory_space<hbm>> -> memref<32x200xi32, #tpu.memory_space<hbm>>
      %dma_wait3A_13 = arith.constant 0 : i32
      %dma_wait3A_14 = tpu.memref_slice %arg2[%mul3A_2, %dma_wait3A_13] : memref<1024x200xi32, #tpu.memory_space<hbm>> -> memref<32x200xi32, #tpu.memory_space<hbm>>
      tpu.wait_dma2 semaphore(%run_scoped3A : memref<!tpu.dma_semaphore, #tpu.memory_space<semaphore_mem>>) src(%dma_wait3A_14 : memref<32x200xi32, #tpu.memory_space<hbm>>) dst(%arg8 : memref<32x200xi32, #tpu.memory_space<vmem>>)
      tpu.yield
    }) : () -> ()
    %scan3A = arith.constant 0 : i32
    %scan3A_3 = arith.constant 0 : i32
    %scan3A_4 = arith.constant 32 : i32
    %scan3A_5 = arith.addi %scan3A_3, %scan3A_4 : i32
    %scan3A_6 = arith.constant 1 : i32
    %scan3A_7 = scf.for %scan3A_9 = %scan3A_3 to %scan3A_5 step %scan3A_6 iter_args(%scan3A_10 = %scan3A) -> (i32)  : i32 {
      %add3A_11 = arith.addi %mul3A_2, %scan3A_9 : i32
      %scan3A_12 = arith.constant 0 : i32
      %scan3A_13 = arith.constant 0 : i32
      %scan3A_14 = arith.constant 12 : i32
      %scan3A_15 = arith.addi %scan3A_13, %scan3A_14 : i32
      %scan3A_16 = arith.constant 1 : i32
      %scan3A_17 = scf.for %scan3A_143 = %scan3A_13 to %scan3A_15 step %scan3A_16 iter_args(%scan3A_144 = %scan3A_12) -> (i32)  : i32 {
        %mul3A_145 = arith.constant 16 : i32
        %mul3A_146 = arith.muli %scan3A_143, %mul3A_145 : i32
        %multiple_of3A = tpu.assume_multiple %mul3A_146, 16 : i32
        %get3A_147 = arith.index_cast %scan3A_9 : i32 to index
        %get3A_148 = arith.index_cast %multiple_of3A : i32 to index
        %get3A_149 = tpu.vector_load %arg8[%get3A_147, %get3A_148] {strides = array<i32>} : memref<32x200xi32, #tpu.memory_space<vmem>>, vector<16xi32>,
        %ne3A_150 = arith.constant 1 : i32
        %ne3A_151 = vector.broadcast %ne3A_150 : i32 to vector<16xi32>
        %ne3A_152 = arith.cmpi ne, %get3A_149, %ne3A_151 : vector<16xi32>
        %jit3A_153 = arith.constant 1 : i32
        %jit3A_154 = arith.constant 0 : i32
        %broadcast_in_dim3A_155 = vector.broadcast %jit3A_153 : i32 to vector<16xi32>
        %broadcast_in_dim3A_156 = vector.broadcast %jit3A_154 : i32 to vector<16xi32>
        %select_n3A_157 = arith.select %ne3A_152, %broadcast_in_dim3A_155, %broadcast_in_dim3A_156 : vector<16xi1>, vector<16xi32>
        %broadcast_in_dim3A_158 = arith.constant true
        %broadcast_in_dim3A_159 = vector.broadcast %broadcast_in_dim3A_158 : i1 to vector<16xi1>
        %masked_cumsum3A_160 = tpu.scan <sum>, %select_n3A_157 masked %broadcast_in_dim3A_159 : vector<16xi32>, vector<16xi1> -> vector<16xi32>
        %add3A_161 = vector.broadcast %scan3A_144 : i32 to vector<16xi32>
        %add3A_162 = arith.addi %masked_cumsum3A_160, %add3A_161 : vector<16xi32>
        %mul3A_163 = arith.muli %add3A_162, %select_n3A_157 : vector<16xi32>
        %add3A_164 = arith.constant 1 : i32
        %add3A_165 = vector.broadcast %add3A_164 : i32 to vector<16xi32>
        %add3A_166 = arith.addi %mul3A_163, %add3A_165 : vector<16xi32>
        %swap3A = arith.index_cast %multiple_of3A : i32 to index
        %swap3A_167 = tpu.vector_load %arg10[%swap3A] {strides = array<i32>} : memref<208xi32, #tpu.memory_space<vmem>>, vector<16xi32>,
        tpu.vector_store %arg10[%swap3A], %add3A_166 {strides = array<i32>} : memref<208xi32, #tpu.memory_space<vmem>>, vector<16xi32>,
        %sub3A_168 = arith.constant 1 : i32
        %sub3A_169 = vector.broadcast %sub3A_168 : i32 to vector<16xi32>
        %sub3A_170 = arith.subi %sub3A_169, %select_n3A_157 : vector<16xi32>
        %swap3A_171 = arith.index_cast %scan3A_9 : i32 to index
        %swap3A_172 = arith.index_cast %multiple_of3A : i32 to index
        %swap3A_173 = tpu.vector_load %arg9[%swap3A_171, %swap3A_172] {strides = array<i32>} : memref<32x200xi32, #tpu.memory_space<vmem>>, vector<16xi32>,
        tpu.vector_store %arg9[%swap3A_171, %swap3A_172], %sub3A_170 {strides = array<i32>} : memref<32x200xi32, #tpu.memory_space<vmem>>, vector<16xi32>,
        %add3A_174 = vector.broadcast %multiple_of3A : i32 to vector<16xi32>
        %add3A_175 = arith.addi %add3A_174, %iota3A : vector<16xi32>
        %mul3A_176 = arith.constant 1024 : i32
        %mul3A_177 = vector.broadcast %mul3A_176 : i32 to vector<16xi32>
        %mul3A_178 = arith.muli %add3A_175, %mul3A_177 : vector<16xi32>
        %add3A_179 = vector.broadcast %add3A_11 : i32 to vector<16xi32>
        %add3A_180 = arith.addi %mul3A_178, %add3A_179 : vector<16xi32>
        %lt3A = arith.constant 104 : i32
        %lt3A_181 = arith.cmpi slt, %multiple_of3A, %lt3A : i32
        %convert_element_type3A_182 = arith.extui %lt3A_181 : i1 to i32
        %cond3A = arith.constant 0 : i32
        %cond3A_183 = arith.cmpi ne, %convert_element_type3A_182, %cond3A : i32
        scf.if %cond3A_183 {
          tpu.vector_store_idx %arg11[%add3A_175], %add3A_180 : memref<104xi32, #tpu.memory_space<vmem>>[vector<16xi32>], vector<16xi32>,
        } else {
        }
        %ge3A_184 = arith.constant 104 : i32
        %ge3A_185 = arith.cmpi sge, %multiple_of3A, %ge3A_184 : i32
        %convert_element_type3A_186 = arith.extui %ge3A_185 : i1 to i32
        %cond3A_187 = arith.constant 0 : i32
        %cond3A_188 = arith.cmpi ne, %convert_element_type3A_186, %cond3A_187 : i32
        scf.if %cond3A_188 {
          %sub3A_193 = arith.constant 104 : i32
          %sub3A_194 = vector.broadcast %sub3A_193 : i32 to vector<16xi32>
          %sub3A_195 = arith.subi %add3A_175, %sub3A_194 : vector<16xi32>
          tpu.vector_store_idx %arg12[%sub3A_195], %add3A_180 : memref<96xi32, #tpu.memory_space<vmem>>[vector<16xi32>], vector<16xi32>,
        } else {
        }
        %reduce_sum3A = arith.constant true
        %reduce_sum3A_189 = vector.broadcast %reduce_sum3A : i1 to vector<16xi1>
        %reduce_sum3A_190 = tpu.scan <sum>, %select_n3A_157 masked %reduce_sum3A_189 : vector<16xi32>, vector<16xi1> -> vector<16xi32>
        %reduce_sum3A_191 = vector.extract %reduce_sum3A_190[15] : i32 from vector<16xi32>
        %add3A_192 = arith.addi %scan3A_144, %reduce_sum3A_191 : i32
        scf.yield %add3A_192 : i32
      }
      %scan3A_18 = arith.constant 12 : i32
      %get3A = arith.index_cast %scan3A_9 : i32 to index
      %get3A_19 = arith.constant 184 : index
      %get3A_20 = tpu.vector_load %arg8[%get3A, %get3A_19] {strides = array<i32>} : memref<32x200xi32, #tpu.memory_space<vmem>>, vector<16xi32>,
      %ge3A = arith.constant 8 : i32
      %ge3A_21 = vector.broadcast %ge3A : i32 to vector<16xi32>
      %ge3A_22 = arith.cmpi sge, %iota3A, %ge3A_21 : vector<16xi32>
      %ne3A = arith.constant 1 : i32
      %ne3A_23 = vector.broadcast %ne3A : i32 to vector<16xi32>
      %ne3A_24 = arith.cmpi ne, %get3A_20, %ne3A_23 : vector<16xi32>
      %jit3A = arith.constant 1 : i32
      %jit3A_25 = arith.constant 0 : i32
      %broadcast_in_dim3A = vector.broadcast %jit3A : i32 to vector<16xi32>
      %broadcast_in_dim3A_26 = vector.broadcast %jit3A_25 : i32 to vector<16xi32>
      %select_n3A = arith.select %ne3A_24, %broadcast_in_dim3A, %broadcast_in_dim3A_26 : vector<16xi1>, vector<16xi32>
      %convert_element_type3A = arith.extui %ge3A_22 : vector<16xi1> to vector<16xi32>
      %mul3A_27 = arith.muli %select_n3A, %convert_element_type3A : vector<16xi32>
      %broadcast_in_dim3A_28 = arith.constant true
      %broadcast_in_dim3A_29 = vector.broadcast %broadcast_in_dim3A_28 : i1 to vector<16xi1>
      %masked_cumsum3A = tpu.scan <sum>, %mul3A_27 masked %broadcast_in_dim3A_29 : vector<16xi32>, vector<16xi1> -> vector<16xi32>
      %add3A_30 = vector.broadcast %scan3A_17 : i32 to vector<16xi32>
      %add3A_31 = arith.addi %masked_cumsum3A, %add3A_30 : vector<16xi32>
      %add3A_32 = arith.constant 184 : i32
      %add3A_33 = vector.broadcast %add3A_32 : i32 to vector<16xi32>
      %add3A_34 = arith.addi %add3A_33, %iota3A : vector<16xi32>
      %mul3A_35 = arith.muli %add3A_31, %select_n3A : vector<16xi32>
      %add3A_36 = arith.constant 1 : i32
      %add3A_37 = vector.broadcast %add3A_36 : i32 to vector<16xi32>
      %add3A_38 = arith.addi %mul3A_35, %add3A_37 : vector<16xi32>
      tpu.vector_store_idx %arg10[%add3A_34], %add3A_38 masked %ge3A_22 : memref<208xi32, #tpu.memory_space<vmem>>[vector<16xi32>], vector<16xi32>, vector<16xi1>
      %broadcast_in_dim3A_39 = vector.broadcast %scan3A_9 : i32 to vector<16xi32>
      %sub3A = arith.constant 1 : i32
      %sub3A_40 = vector.broadcast %sub3A : i32 to vector<16xi32>
      %sub3A_41 = arith.subi %sub3A_40, %select_n3A : vector<16xi32>
      tpu.vector_store_idx %arg9[%broadcast_in_dim3A_39, %add3A_34], %sub3A_41 masked %ge3A_22 : memref<32x200xi32, #tpu.memory_space<vmem>>[vector<16xi32>, vector<16xi32>], vector<16xi32>, vector<16xi1>
      %sub3A_42 = arith.constant 104 : i32
      %sub3A_43 = vector.broadcast %sub3A_42 : i32 to vector<16xi32>
      %sub3A_44 = arith.subi %add3A_34, %sub3A_43 : vector<16xi32>
      %mul3A_45 = arith.constant 1024 : i32
      %mul3A_46 = vector.broadcast %mul3A_45 : i32 to vector<16xi32>
      %mul3A_47 = arith.muli %add3A_34, %mul3A_46 : vector<16xi32>
      %add3A_48 = vector.broadcast %add3A_11 : i32 to vector<16xi32>
      %add3A_49 = arith.addi %mul3A_47, %add3A_48 : vector<16xi32>
      tpu.vector_store_idx %arg12[%sub3A_44], %add3A_49 masked %ge3A_22 : memref<96xi32, #tpu.memory_space<vmem>>[vector<16xi32>], vector<16xi32>, vector<16xi1>
      %dma_start3A = arith.constant 0 : i32
      %dma_start3A_50 = arith.constant 0 : i32
      %dma_start3A_51 = tpu.memref_slice %arg13[%dma_start3A, %dma_start3A_50] : memref<200x128xf32, #tpu.memory_space<vmem>> -> memref<104x128xf32, #tpu.memory_space<vmem>>
      %dma_start3A_52 = arith.constant 0 : i32
      %dma_start3A_53 = tpu.memref_slice %arg8[%scan3A_9, %dma_start3A_52] : memref<32x200xi32, #tpu.memory_space<vmem>> -> memref<1x104xi32, #tpu.memory_space<vmem>>
      %dma_start3A_54 = tpu.memref_squeeze %dma_start3A_53 : memref<1x104xi32, #tpu.memory_space<vmem>> -> memref<104xi32, #tpu.memory_space<vmem>>
      %dma_start3A_55 = arith.constant 0 : i32
      %dma_start3A_56 = arith.constant 0 : i32
      %dma_start3A_57 = tpu.memref_slice %arg3[%dma_start3A_55, %dma_start3A_56] : memref<1001472x128xf32, #tpu.memory_space<hbm>> -> memref<1001472x128xf32, #tpu.memory_space<hbm>>
      tpu.enqueue_indirect_dma source(%dma_start3A_57 : memref<1001472x128xf32, #tpu.memory_space<hbm>>) target(%dma_start3A_51 : memref<104x128xf32, #tpu.memory_space<vmem>>) offsets(%dma_start3A_54 : memref<104xi32, #tpu.memory_space<vmem>>) semaphore(%arg15 : memref<!tpu.dma_semaphore, #tpu.memory_space<semaphore_mem>>)
      %dma_start3A_58 = arith.constant 104 : i32
      %dma_start3A_59 = arith.constant 0 : i32
      %dma_start3A_60 = tpu.memref_slice %arg13[%dma_start3A_58, %dma_start3A_59] : memref<200x128xf32, #tpu.memory_space<vmem>> -> memref<96x128xf32, #tpu.memory_space<vmem>>
      %dma_start3A_61 = arith.constant 104 : i32
      %dma_start3A_62 = tpu.memref_slice %arg8[%scan3A_9, %dma_start3A_61] : memref<32x200xi32, #tpu.memory_space<vmem>> -> memref<1x96xi32, #tpu.memory_space<vmem>>
      %dma_start3A_63 = tpu.memref_squeeze %dma_start3A_62 : memref<1x96xi32, #tpu.memory_space<vmem>> -> memref<96xi32, #tpu.memory_space<vmem>>
      %dma_start3A_64 = arith.constant 0 : i32
      %dma_start3A_65 = arith.constant 0 : i32
      %dma_start3A_66 = tpu.memref_slice %arg3[%dma_start3A_64, %dma_start3A_65] : memref<1001472x128xf32, #tpu.memory_space<hbm>> -> memref<1001472x128xf32, #tpu.memory_space<hbm>>
      tpu.enqueue_indirect_dma source(%dma_start3A_66 : memref<1001472x128xf32, #tpu.memory_space<hbm>>) target(%dma_start3A_60 : memref<96x128xf32, #tpu.memory_space<vmem>>) offsets(%dma_start3A_63 : memref<96xi32, #tpu.memory_space<vmem>>) semaphore(%arg15 : memref<!tpu.dma_semaphore, #tpu.memory_space<semaphore_mem>>)
      %dma_start3A_67 = arith.constant 0 : i32
      %dma_start3A_68 = arith.constant 0 : i32
      %dma_start3A_69 = tpu.memref_slice %arg14[%dma_start3A_67, %dma_start3A_68] : memref<200x128xf32, #tpu.memory_space<vmem>> -> memref<104x128xf32, #tpu.memory_space<vmem>>
      %dma_start3A_70 = arith.constant 0 : i32
      %dma_start3A_71 = tpu.memref_slice %arg10[%dma_start3A_70] : memref<208xi32, #tpu.memory_space<vmem>> -> memref<104xi32, #tpu.memory_space<vmem>>
      %dma_start3A_72 = arith.constant 0 : i32
      %dma_start3A_73 = arith.constant 0 : i32
      %dma_start3A_74 = tpu.memref_slice %arg4[%dma_start3A_72, %dma_start3A_73] : memref<1026x128xf32, #tpu.memory_space<hbm>> -> memref<1026x128xf32, #tpu.memory_space<hbm>>
      tpu.enqueue_indirect_dma source(%dma_start3A_74 : memref<1026x128xf32, #tpu.memory_space<hbm>>) target(%dma_start3A_69 : memref<104x128xf32, #tpu.memory_space<vmem>>) offsets(%dma_start3A_71 : memref<104xi32, #tpu.memory_space<vmem>>) semaphore(%arg15 : memref<!tpu.dma_semaphore, #tpu.memory_space<semaphore_mem>>)
      %dma_start3A_75 = arith.constant 104 : i32
      %dma_start3A_76 = arith.constant 0 : i32
      %dma_start3A_77 = tpu.memref_slice %arg14[%dma_start3A_75, %dma_start3A_76] : memref<200x128xf32, #tpu.memory_space<vmem>> -> memref<96x128xf32, #tpu.memory_space<vmem>>
      %dma_start3A_78 = arith.constant 104 : i32
      %dma_start3A_79 = tpu.memref_slice %arg10[%dma_start3A_78] : memref<208xi32, #tpu.memory_space<vmem>> -> memref<96xi32, #tpu.memory_space<vmem>>
      %dma_start3A_80 = arith.constant 0 : i32
      %dma_start3A_81 = arith.constant 0 : i32
      %dma_start3A_82 = tpu.memref_slice %arg4[%dma_start3A_80, %dma_start3A_81] : memref<1026x128xf32, #tpu.memory_space<hbm>> -> memref<1026x128xf32, #tpu.memory_space<hbm>>
      tpu.enqueue_indirect_dma source(%dma_start3A_82 : memref<1026x128xf32, #tpu.memory_space<hbm>>) target(%dma_start3A_77 : memref<96x128xf32, #tpu.memory_space<vmem>>) offsets(%dma_start3A_79 : memref<96xi32, #tpu.memory_space<vmem>>) semaphore(%arg15 : memref<!tpu.dma_semaphore, #tpu.memory_space<semaphore_mem>>)
      %dma_wait3A = arith.constant 0 : i32
      %dma_wait3A_83 = arith.constant 0 : i32
      %dma_wait3A_84 = tpu.memref_slice %arg13[%dma_wait3A, %dma_wait3A_83] : memref<200x128xf32, #tpu.memory_space<vmem>> -> memref<104x128xf32, #tpu.memory_space<vmem>>
      %dma_wait3A_85 = arith.constant 0 : i32
      %dma_wait3A_86 = tpu.memref_slice %arg8[%scan3A_9, %dma_wait3A_85] : memref<32x200xi32, #tpu.memory_space<vmem>> -> memref<1x104xi32, #tpu.memory_space<vmem>>
      %dma_wait3A_87 = tpu.memref_squeeze %dma_wait3A_86 : memref<1x104xi32, #tpu.memory_space<vmem>> -> memref<104xi32, #tpu.memory_space<vmem>>
      %dma_wait3A_88 = arith.constant 0 : i32
      %dma_wait3A_89 = arith.constant 0 : i32
      %dma_wait3A_90 = tpu.memref_slice %arg3[%dma_wait3A_88, %dma_wait3A_89] : memref<1001472x128xf32, #tpu.memory_space<hbm>> -> memref<1001472x128xf32, #tpu.memory_space<hbm>>
      tpu.wait_indirect_dma semaphore(%arg15 : memref<!tpu.dma_semaphore, #tpu.memory_space<semaphore_mem>>) src(%dma_wait3A_90 : memref<1001472x128xf32, #tpu.memory_space<hbm>>) dst(%dma_wait3A_84 : memref<104x128xf32, #tpu.memory_space<vmem>>)
      %dma_wait3A_91 = arith.constant 104 : i32
      %dma_wait3A_92 = arith.constant 0 : i32
      %dma_wait3A_93 = tpu.memref_slice %arg13[%dma_wait3A_91, %dma_wait3A_92] : memref<200x128xf32, #tpu.memory_space<vmem>> -> memref<96x128xf32, #tpu.memory_space<vmem>>
      %dma_wait3A_94 = arith.constant 104 : i32
      %dma_wait3A_95 = tpu.memref_slice %arg8[%scan3A_9, %dma_wait3A_94] : memref<32x200xi32, #tpu.memory_space<vmem>> -> memref<1x96xi32, #tpu.memory_space<vmem>>
      %dma_wait3A_96 = tpu.memref_squeeze %dma_wait3A_95 : memref<1x96xi32, #tpu.memory_space<vmem>> -> memref<96xi32, #tpu.memory_space<vmem>>
      %dma_wait3A_97 = arith.constant 0 : i32
      %dma_wait3A_98 = arith.constant 0 : i32
      %dma_wait3A_99 = tpu.memref_slice %arg3[%dma_wait3A_97, %dma_wait3A_98] : memref<1001472x128xf32, #tpu.memory_space<hbm>> -> memref<1001472x128xf32, #tpu.memory_space<hbm>>
      tpu.wait_indirect_dma semaphore(%arg15 : memref<!tpu.dma_semaphore, #tpu.memory_space<semaphore_mem>>) src(%dma_wait3A_99 : memref<1001472x128xf32, #tpu.memory_space<hbm>>) dst(%dma_wait3A_93 : memref<96x128xf32, #tpu.memory_space<vmem>>)
      %dma_wait3A_100 = arith.constant 0 : i32
      %dma_wait3A_101 = arith.constant 0 : i32
      %dma_wait3A_102 = tpu.memref_slice %arg14[%dma_wait3A_100, %dma_wait3A_101] : memref<200x128xf32, #tpu.memory_space<vmem>> -> memref<104x128xf32, #tpu.memory_space<vmem>>
      %dma_wait3A_103 = arith.constant 0 : i32
      %dma_wait3A_104 = tpu.memref_slice %arg10[%dma_wait3A_103] : memref<208xi32, #tpu.memory_space<vmem>> -> memref<104xi32, #tpu.memory_space<vmem>>
      %dma_wait3A_105 = arith.constant 0 : i32
      %dma_wait3A_106 = arith.constant 0 : i32
      %dma_wait3A_107 = tpu.memref_slice %arg4[%dma_wait3A_105, %dma_wait3A_106] : memref<1026x128xf32, #tpu.memory_space<hbm>> -> memref<1026x128xf32, #tpu.memory_space<hbm>>
      tpu.wait_indirect_dma semaphore(%arg15 : memref<!tpu.dma_semaphore, #tpu.memory_space<semaphore_mem>>) src(%dma_wait3A_107 : memref<1026x128xf32, #tpu.memory_space<hbm>>) dst(%dma_wait3A_102 : memref<104x128xf32, #tpu.memory_space<vmem>>)
      %dma_wait3A_108 = arith.constant 104 : i32
      %dma_wait3A_109 = arith.constant 0 : i32
      %dma_wait3A_110 = tpu.memref_slice %arg14[%dma_wait3A_108, %dma_wait3A_109] : memref<200x128xf32, #tpu.memory_space<vmem>> -> memref<96x128xf32, #tpu.memory_space<vmem>>
      %dma_wait3A_111 = arith.constant 104 : i32
      %dma_wait3A_112 = tpu.memref_slice %arg10[%dma_wait3A_111] : memref<208xi32, #tpu.memory_space<vmem>> -> memref<96xi32, #tpu.memory_space<vmem>>
      %dma_wait3A_113 = arith.constant 0 : i32
      %dma_wait3A_114 = arith.constant 0 : i32
      %dma_wait3A_115 = tpu.memref_slice %arg4[%dma_wait3A_113, %dma_wait3A_114] : memref<1026x128xf32, #tpu.memory_space<hbm>> -> memref<1026x128xf32, #tpu.memory_space<hbm>>
      tpu.wait_indirect_dma semaphore(%arg15 : memref<!tpu.dma_semaphore, #tpu.memory_space<semaphore_mem>>) src(%dma_wait3A_115 : memref<1026x128xf32, #tpu.memory_space<hbm>>) dst(%dma_wait3A_110 : memref<96x128xf32, #tpu.memory_space<vmem>>)
      %mul3A_116 = arith.constant 200 : i32
      %mul3A_117 = arith.muli %add3A_11, %mul3A_116 : i32
      "tpu.region"() ({
        %run_scoped3A = tpu.sem_alloc : memref<!tpu.dma_semaphore, #tpu.memory_space<semaphore_mem>>
        %dma_start3A_143 = arith.constant 0 : i32
        %dma_start3A_144 = tpu.memref_slice %arg6[%mul3A_117, %dma_start3A_143] : memref<204800x128xf32, #tpu.memory_space<hbm>> -> memref<200x128xf32, #tpu.memory_space<hbm>>
        %dma_start3A_145 = arith.constant 0 : i32
        %dma_start3A_146 = tpu.memref_slice %arg6[%mul3A_117, %dma_start3A_145] : memref<204800x128xf32, #tpu.memory_space<hbm>> -> memref<200x128xf32, #tpu.memory_space<hbm>>
        tpu.enqueue_dma source(%arg14 : memref<200x128xf32, #tpu.memory_space<vmem>>) target(%dma_start3A_146 : memref<200x128xf32, #tpu.memory_space<hbm>>) target_semaphore(%run_scoped3A : memref<!tpu.dma_semaphore, #tpu.memory_space<semaphore_mem>>)
        %dma_wait3A_147 = arith.constant 0 : i32
        %dma_wait3A_148 = tpu.memref_slice %arg6[%mul3A_117, %dma_wait3A_147] : memref<204800x128xf32, #tpu.memory_space<hbm>> -> memref<200x128xf32, #tpu.memory_space<hbm>>
        %dma_wait3A_149 = arith.constant 0 : i32
        %dma_wait3A_150 = tpu.memref_slice %arg6[%mul3A_117, %dma_wait3A_149] : memref<204800x128xf32, #tpu.memory_space<hbm>> -> memref<200x128xf32, #tpu.memory_space<hbm>>
        tpu.wait_dma2 semaphore(%run_scoped3A : memref<!tpu.dma_semaphore, #tpu.memory_space<semaphore_mem>>) src(%arg14 : memref<200x128xf32, #tpu.memory_space<vmem>>) dst(%dma_wait3A_150 : memref<200x128xf32, #tpu.memory_space<hbm>>)
        tpu.yield
      }) : () -> ()
      %dma_start3A_118 = arith.constant 0 : i32
      %dma_start3A_119 = arith.constant 0 : i32
      %dma_start3A_120 = tpu.memref_slice %arg13[%dma_start3A_118, %dma_start3A_119] : memref<200x128xf32, #tpu.memory_space<vmem>> -> memref<104x128xf32, #tpu.memory_space<vmem>>
      %dma_start3A_121 = arith.constant 0 : i32
      %dma_start3A_122 = arith.constant 0 : i32
      %dma_start3A_123 = tpu.memref_slice %arg5[%dma_start3A_121, %dma_start3A_122] : memref<204800x128xf32, #tpu.memory_space<hbm>> -> memref<204800x128xf32, #tpu.memory_space<hbm>>
      tpu.enqueue_indirect_dma source(%dma_start3A_120 : memref<104x128xf32, #tpu.memory_space<vmem>>) target(%dma_start3A_123 : memref<204800x128xf32, #tpu.memory_space<hbm>>) offsets(%arg11 : memref<104xi32, #tpu.memory_space<vmem>>) semaphore(%arg15 : memref<!tpu.dma_semaphore, #tpu.memory_space<semaphore_mem>>)
      %dma_start3A_124 = arith.constant 104 : i32
      %dma_start3A_125 = arith.constant 0 : i32
      %dma_start3A_126 = tpu.memref_slice %arg13[%dma_start3A_124, %dma_start3A_125] : memref<200x128xf32, #tpu.memory_space<vmem>> -> memref<96x128xf32, #tpu.memory_space<vmem>>
      %dma_start3A_127 = arith.constant 0 : i32
      %dma_start3A_128 = arith.constant 0 : i32
      %dma_start3A_129 = tpu.memref_slice %arg5[%dma_start3A_127, %dma_start3A_128] : memref<204800x128xf32, #tpu.memory_space<hbm>> -> memref<204800x128xf32, #tpu.memory_space<hbm>>
      tpu.enqueue_indirect_dma source(%dma_start3A_126 : memref<96x128xf32, #tpu.memory_space<vmem>>) target(%dma_start3A_129 : memref<204800x128xf32, #tpu.memory_space<hbm>>) offsets(%arg12 : memref<96xi32, #tpu.memory_space<vmem>>) semaphore(%arg15 : memref<!tpu.dma_semaphore, #tpu.memory_space<semaphore_mem>>)
      %dma_wait3A_130 = arith.constant 0 : i32
      %dma_wait3A_131 = arith.constant 0 : i32
      %dma_wait3A_132 = tpu.memref_slice %arg13[%dma_wait3A_130, %dma_wait3A_131] : memref<200x128xf32, #tpu.memory_space<vmem>> -> memref<104x128xf32, #tpu.memory_space<vmem>>
      %dma_wait3A_133 = arith.constant 0 : i32
      %dma_wait3A_134 = arith.constant 0 : i32
      %dma_wait3A_135 = tpu.memref_slice %arg5[%dma_wait3A_133, %dma_wait3A_134] : memref<204800x128xf32, #tpu.memory_space<hbm>> -> memref<204800x128xf32, #tpu.memory_space<hbm>>
      tpu.wait_indirect_dma semaphore(%arg15 : memref<!tpu.dma_semaphore, #tpu.memory_space<semaphore_mem>>) src(%dma_wait3A_132 : memref<104x128xf32, #tpu.memory_space<vmem>>) dst(%dma_wait3A_135 : memref<204800x128xf32, #tpu.memory_space<hbm>>)
      %dma_wait3A_136 = arith.constant 104 : i32
      %dma_wait3A_137 = arith.constant 0 : i32
      %dma_wait3A_138 = tpu.memref_slice %arg13[%dma_wait3A_136, %dma_wait3A_137] : memref<200x128xf32, #tpu.memory_space<vmem>> -> memref<96x128xf32, #tpu.memory_space<vmem>>
      %dma_wait3A_139 = arith.constant 0 : i32
      %dma_wait3A_140 = arith.constant 0 : i32
      %dma_wait3A_141 = tpu.memref_slice %arg5[%dma_wait3A_139, %dma_wait3A_140] : memref<204800x128xf32, #tpu.memory_space<hbm>> -> memref<204800x128xf32, #tpu.memory_space<hbm>>
      tpu.wait_indirect_dma semaphore(%arg15 : memref<!tpu.dma_semaphore, #tpu.memory_space<semaphore_mem>>) src(%dma_wait3A_138 : memref<96x128xf32, #tpu.memory_space<vmem>>) dst(%dma_wait3A_141 : memref<204800x128xf32, #tpu.memory_space<hbm>>)
      %scan3A_142 = arith.constant 0 : i32
      scf.yield %scan3A_142 : i32
    }
    %scan3A_8 = arith.constant 32 : i32
    "tpu.region"() ({
      %run_scoped3A = tpu.sem_alloc : memref<!tpu.dma_semaphore, #tpu.memory_space<semaphore_mem>>
      %dma_start3A = arith.constant 0 : i32
      %dma_start3A_9 = tpu.memref_slice %arg7[%mul3A_2, %dma_start3A] : memref<1024x200xi32, #tpu.memory_space<hbm>> -> memref<32x200xi32, #tpu.memory_space<hbm>>
      %dma_start3A_10 = arith.constant 0 : i32
      %dma_start3A_11 = tpu.memref_slice %arg7[%mul3A_2, %dma_start3A_10] : memref<1024x200xi32, #tpu.memory_space<hbm>> -> memref<32x200xi32, #tpu.memory_space<hbm>>
      tpu.enqueue_dma source(%arg9 : memref<32x200xi32, #tpu.memory_space<vmem>>) target(%dma_start3A_11 : memref<32x200xi32, #tpu.memory_space<hbm>>) target_semaphore(%run_scoped3A : memref<!tpu.dma_semaphore, #tpu.memory_space<semaphore_mem>>)
      %dma_wait3A = arith.constant 0 : i32
      %dma_wait3A_12 = tpu.memref_slice %arg7[%mul3A_2, %dma_wait3A] : memref<1024x200xi32, #tpu.memory_space<hbm>> -> memref<32x200xi32, #tpu.memory_space<hbm>>
      %dma_wait3A_13 = arith.constant 0 : i32
      %dma_wait3A_14 = tpu.memref_slice %arg7[%mul3A_2, %dma_wait3A_13] : memref<1024x200xi32, #tpu.memory_space<hbm>> -> memref<32x200xi32, #tpu.memory_space<hbm>>
      tpu.wait_dma2 semaphore(%run_scoped3A : memref<!tpu.dma_semaphore, #tpu.memory_space<semaphore_mem>>) src(%arg9 : memref<32x200xi32, #tpu.memory_space<vmem>>) dst(%dma_wait3A_14 : memref<32x200xi32, #tpu.memory_space<hbm>>)
      tpu.yield
    }) : () -> ()
    return
  }
}

module attributes {stable_mosaic.version = 14 : i64} {
  func.func @_repack_body(%arg0: i32, %arg1: memref<64x2048xf32, #tpu.memory_space<vmem>>, %arg2: memref<2048x128xf32, #tpu.memory_space<vmem>>) attributes {dimension_semantics = [#tpu.dimension_semantics<arbitrary>], iteration_bounds = array<i64: 489>, scalar_prefetch = 0 : i64, scratch_operands = 0 : i64, tpu.core_type = #tpu.core_type<tc>, window_params = [{transform_indices = @transform_0, window_bounds = array<i64: 64, 2048>}, {transform_indices = @transform_1, window_bounds = array<i64: 2048, 128>}]} {
    %get3A = arith.constant 0 : index
    %get3A_0 = arith.constant 0 : index
    %get3A_1 = vector.load %arg1[%get3A, %get3A_0] : memref<64x2048xf32, #tpu.memory_space<vmem>>, vector<64x2048xf32>
    %iota3A = tpu.iota {dimensions = array<i32: 0>} : vector<64x64xi32>
    %iota3A_2 = tpu.iota {dimensions = array<i32: 1>} : vector<64x64xi32>
    %add3A = arith.constant 0 : i32
    %add3A_3 = vector.broadcast %add3A : i32 to vector<64x64xi32>
    %add3A_4 = arith.addi %iota3A, %add3A_3 : vector<64x64xi32>
    %eq3A = arith.cmpi eq, %add3A_4, %iota3A_2 : vector<64x64xi32>
    %convert_element_type3A = arith.extui %eq3A : vector<64x64xi1> to vector<64x64xi32>
    %convert_element_type3A_5 = arith.sitofp %convert_element_type3A : vector<64x64xi32> to vector<64x64xf32>
    %dot_general3A = arith.constant dense<0.000000e+00> : vector<2048x64xf32>
    %dot_general3A_6 = tpu.matmul %get3A_1, %convert_element_type3A_5, %dot_general3A {dimension_numbers = #tpu.dot_dimension_numbers<[0], [0], [1], [1], [0, 1, 1, 1], [], []>, transpose_lhs_hint = false} : vector<64x2048xf32>, vector<64x64xf32>, vector<2048x64xf32> -> vector<2048x64xf32>
    %swap3A = arith.constant 0 : index
    %swap3A_7 = arith.constant 0 : index
    %swap3A_8 = vector.load %arg2[%swap3A, %swap3A_7] : memref<2048x128xf32, #tpu.memory_space<vmem>>, vector<2048x64xf32>
    tpu.vector_store %arg2[%swap3A, %swap3A_7], %dot_general3A_6 {strides = array<i32>} : memref<2048x128xf32, #tpu.memory_space<vmem>>, vector<2048x64xf32>,
    return
  }
  func.func @transform_0(%arg0: i32) -> (i32, i32) {
    %c0_i32 = arith.constant 0 : i32
    %c0_i32_0 = arith.constant 0 : i32
    return %c0_i32, %arg0 : i32, i32
  }
  func.func @transform_1(%arg0: i32) -> (i32, i32) {
    %c0_i32 = arith.constant 0 : i32
    %c0_i32_0 = arith.constant 0 : i32
    return %arg0, %c0_i32 : i32, i32
  }
}

module attributes {stable_mosaic.version = 14 : i64} {
  func.func @_combine_body(%arg0: i32, %arg1: i32, %arg2: memref<8x128x128xf32, #tpu.memory_space<vmem>>, %arg3: memref<128x8x128xf32, #tpu.memory_space<vmem>>, %arg4: memref<8x64x128xf32, #tpu.memory_space<vmem>>, %arg5: memref<8x64x128xf32, #tpu.memory_space<vmem>>) attributes {dimension_semantics = [#tpu.dimension_semantics<arbitrary>, #tpu.dimension_semantics<arbitrary>], iteration_bounds = array<i64: 8, 25>, scalar_prefetch = 0 : i64, scratch_operands = 0 : i64, tpu.core_type = #tpu.core_type<tc>, window_params = [{transform_indices = @transform_0, window_bounds = array<i64: 8, 128, 128>}, {transform_indices = @transform_1, window_bounds = array<i64: 128, 8, 128>}, {transform_indices = @transform_2, window_bounds = array<i64: 8, 64, 128>}, {transform_indices = @transform_3, window_bounds = array<i64: 8, 64, 128>}]} {
    %get3A = arith.constant 0 : index
    %get3A_0 = arith.constant 0 : index
    %get3A_1 = arith.constant 0 : index
    %get3A_2 = vector.load %arg2[%get3A, %get3A_0, %get3A_1] : memref<8x128x128xf32, #tpu.memory_space<vmem>>, vector<8x128x128xf32>
    %get3A_3 = arith.constant 0 : index
    %get3A_4 = arith.constant 0 : index
    %get3A_5 = arith.constant 0 : index
    %get3A_6 = vector.load %arg3[%get3A_3, %get3A_4, %get3A_5] : memref<128x8x128xf32, #tpu.memory_space<vmem>>, vector<128x8x128xf32>
    %slice3A = vector.extract_strided_slice %get3A_6 {offsets = [0, 0, 0], sizes = [128, 1, 64], strides = [1, 1, 1]} : vector<128x8x128xf32> to vector<128x1x64xf32>
    %squeeze3A = vector.shape_cast %slice3A : vector<128x1x64xf32> to vector<128x64xf32>
    %slice3A_7 = vector.extract_strided_slice %get3A_2 {offsets = [0, 0, 0], sizes = [1, 128, 128], strides = [1, 1, 1]} : vector<8x128x128xf32> to vector<1x128x128xf32>
    %squeeze3A_8 = vector.shape_cast %slice3A_7 : vector<1x128x128xf32> to vector<128x128xf32>
    %slice3A_9 = vector.extract_strided_slice %squeeze3A_8 {offsets = [0, 0], sizes = [128, 64], strides = [1, 1]} : vector<128x128xf32> to vector<128x64xf32>
    %mul3A = arith.constant 8.000000e+00 : f32
    %mul3A_10 = vector.broadcast %mul3A : f32 to vector<128x64xf32>
    %mul3A_11 = arith.mulf %slice3A_9, %mul3A_10 : vector<128x64xf32>
    %add3A = arith.addf %mul3A_11, %squeeze3A : vector<128x64xf32>
    %iota3A = tpu.iota {dimensions = array<i32: 0>} : vector<128x128xi32>
    %iota3A_12 = tpu.iota {dimensions = array<i32: 1>} : vector<128x128xi32>
    %add3A_13 = arith.constant 0 : i32
    %add3A_14 = vector.broadcast %add3A_13 : i32 to vector<128x128xi32>
    %add3A_15 = arith.addi %iota3A, %add3A_14 : vector<128x128xi32>
    %eq3A = arith.cmpi eq, %add3A_15, %iota3A_12 : vector<128x128xi32>
    %convert_element_type3A = arith.extui %eq3A : vector<128x128xi1> to vector<128x128xi32>
    %convert_element_type3A_16 = arith.sitofp %convert_element_type3A : vector<128x128xi32> to vector<128x128xf32>
    %dot_general3A = arith.constant dense<0.000000e+00> : vector<64x128xf32>
    %dot_general3A_17 = tpu.matmul %add3A, %convert_element_type3A_16, %dot_general3A {dimension_numbers = #tpu.dot_dimension_numbers<[0], [0], [1], [1], [0, 1, 1, 1], [], []>, transpose_lhs_hint = false} : vector<128x64xf32>, vector<128x128xf32>, vector<64x128xf32> -> vector<64x128xf32>
    %swap3A = arith.constant 0 : index
    %swap3A_18 = arith.constant 0 : index
    %swap3A_19 = arith.constant 0 : index
    %swap3A_20 = vector.load %arg4[%swap3A, %swap3A_18, %swap3A_19] : memref<8x64x128xf32, #tpu.memory_space<vmem>>, vector<1x64x128xf32>
    %swap3A_21 = vector.shape_cast %swap3A_20 : vector<1x64x128xf32> to vector<64x128xf32>
    %swap3A_22 = vector.shape_cast %dot_general3A_17 : vector<64x128xf32> to vector<1x64x128xf32>
    tpu.vector_store %arg4[%swap3A, %swap3A_18, %swap3A_19], %swap3A_22 {strides = array<i32>} : memref<8x64x128xf32, #tpu.memory_space<vmem>>, vector<1x64x128xf32>,
    %iota3A_23 = tpu.iota {dimensions = array<i32: 0>} : vector<128x128xi32>
    %iota3A_24 = tpu.iota {dimensions = array<i32: 1>} : vector<128x128xi32>
    %add3A_25 = arith.constant 0 : i32
    %add3A_26 = vector.broadcast %add3A_25 : i32 to vector<128x128xi32>
    %add3A_27 = arith.addi %iota3A_23, %add3A_26 : vector<128x128xi32>
    %eq3A_28 = arith.cmpi eq, %add3A_27, %iota3A_24 : vector<128x128xi32>
    %convert_element_type3A_29 = arith.extui %eq3A_28 : vector<128x128xi1> to vector<128x128xi32>
    %convert_element_type3A_30 = arith.sitofp %convert_element_type3A_29 : vector<128x128xi32> to vector<128x128xf32>
    %dot_general3A_31 = arith.constant dense<0.000000e+00> : vector<64x128xf32>
    %dot_general3A_32 = tpu.matmul %squeeze3A, %convert_element_type3A_30, %dot_general3A_31 {dimension_numbers = #tpu.dot_dimension_numbers<[0], [0], [1], [1], [0, 1, 1, 1], [], []>, transpose_lhs_hint = false} : vector<128x64xf32>, vector<128x128xf32>, vector<64x128xf32> -> vector<64x128xf32>
    %swap3A_33 = arith.constant 0 : index
    %swap3A_34 = arith.constant 0 : index
    %swap3A_35 = arith.constant 0 : index
    %swap3A_36 = vector.load %arg5[%swap3A_33, %swap3A_34, %swap3A_35] : memref<8x64x128xf32, #tpu.memory_space<vmem>>, vector<1x64x128xf32>
    %swap3A_37 = vector.shape_cast %swap3A_36 : vector<1x64x128xf32> to vector<64x128xf32>
    %swap3A_38 = vector.shape_cast %dot_general3A_32 : vector<64x128xf32> to vector<1x64x128xf32>
    tpu.vector_store %arg5[%swap3A_33, %swap3A_34, %swap3A_35], %swap3A_38 {strides = array<i32>} : memref<8x64x128xf32, #tpu.memory_space<vmem>>, vector<1x64x128xf32>,
    %slice3A_39 = vector.extract_strided_slice %get3A_6 {offsets = [0, 1, 0], sizes = [128, 1, 64], strides = [1, 1, 1]} : vector<128x8x128xf32> to vector<128x1x64xf32>
    %squeeze3A_40 = vector.shape_cast %slice3A_39 : vector<128x1x64xf32> to vector<128x64xf32>
    %slice3A_41 = vector.extract_strided_slice %get3A_2 {offsets = [1, 0, 0], sizes = [1, 128, 128], strides = [1, 1, 1]} : vector<8x128x128xf32> to vector<1x128x128xf32>
    %squeeze3A_42 = vector.shape_cast %slice3A_41 : vector<1x128x128xf32> to vector<128x128xf32>
    %slice3A_43 = vector.extract_strided_slice %squeeze3A_42 {offsets = [0, 0], sizes = [128, 64], strides = [1, 1]} : vector<128x128xf32> to vector<128x64xf32>
    %mul3A_44 = arith.constant 8.000000e+00 : f32
    %mul3A_45 = vector.broadcast %mul3A_44 : f32 to vector<128x64xf32>
    %mul3A_46 = arith.mulf %slice3A_43, %mul3A_45 : vector<128x64xf32>
    %add3A_47 = arith.addf %mul3A_46, %squeeze3A_40 : vector<128x64xf32>
    %iota3A_48 = tpu.iota {dimensions = array<i32: 0>} : vector<128x128xi32>
    %iota3A_49 = tpu.iota {dimensions = array<i32: 1>} : vector<128x128xi32>
    %add3A_50 = arith.constant 0 : i32
    %add3A_51 = vector.broadcast %add3A_50 : i32 to vector<128x128xi32>
    %add3A_52 = arith.addi %iota3A_48, %add3A_51 : vector<128x128xi32>
    %eq3A_53 = arith.cmpi eq, %add3A_52, %iota3A_49 : vector<128x128xi32>
    %convert_element_type3A_54 = arith.extui %eq3A_53 : vector<128x128xi1> to vector<128x128xi32>
    %convert_element_type3A_55 = arith.sitofp %convert_element_type3A_54 : vector<128x128xi32> to vector<128x128xf32>
    %dot_general3A_56 = arith.constant dense<0.000000e+00> : vector<64x128xf32>
    %dot_general3A_57 = tpu.matmul %add3A_47, %convert_element_type3A_55, %dot_general3A_56 {dimension_numbers = #tpu.dot_dimension_numbers<[0], [0], [1], [1], [0, 1, 1, 1], [], []>, transpose_lhs_hint = false} : vector<128x64xf32>, vector<128x128xf32>, vector<64x128xf32> -> vector<64x128xf32>
    %swap3A_58 = arith.constant 1 : index
    %swap3A_59 = arith.constant 0 : index
    %swap3A_60 = arith.constant 0 : index
    %swap3A_61 = vector.load %arg4[%swap3A_58, %swap3A_59, %swap3A_60] : memref<8x64x128xf32, #tpu.memory_space<vmem>>, vector<1x64x128xf32>
    %swap3A_62 = vector.shape_cast %swap3A_61 : vector<1x64x128xf32> to vector<64x128xf32>
    %swap3A_63 = vector.shape_cast %dot_general3A_57 : vector<64x128xf32> to vector<1x64x128xf32>
    tpu.vector_store %arg4[%swap3A_58, %swap3A_59, %swap3A_60], %swap3A_63 {strides = array<i32>} : memref<8x64x128xf32, #tpu.memory_space<vmem>>, vector<1x64x128xf32>,
    %iota3A_64 = tpu.iota {dimensions = array<i32: 0>} : vector<128x128xi32>
    %iota3A_65 = tpu.iota {dimensions = array<i32: 1>} : vector<128x128xi32>
    %add3A_66 = arith.constant 0 : i32
    %add3A_67 = vector.broadcast %add3A_66 : i32 to vector<128x128xi32>
    %add3A_68 = arith.addi %iota3A_64, %add3A_67 : vector<128x128xi32>
    %eq3A_69 = arith.cmpi eq, %add3A_68, %iota3A_65 : vector<128x128xi32>
    %convert_element_type3A_70 = arith.extui %eq3A_69 : vector<128x128xi1> to vector<128x128xi32>
    %convert_element_type3A_71 = arith.sitofp %convert_element_type3A_70 : vector<128x128xi32> to vector<128x128xf32>
    %dot_general3A_72 = arith.constant dense<0.000000e+00> : vector<64x128xf32>
    %dot_general3A_73 = tpu.matmul %squeeze3A_40, %convert_element_type3A_71, %dot_general3A_72 {dimension_numbers = #tpu.dot_dimension_numbers<[0], [0], [1], [1], [0, 1, 1, 1], [], []>, transpose_lhs_hint = false} : vector<128x64xf32>, vector<128x128xf32>, vector<64x128xf32> -> vector<64x128xf32>
    %swap3A_74 = arith.constant 1 : index
    %swap3A_75 = arith.constant 0 : index
    %swap3A_76 = arith.constant 0 : index
    %swap3A_77 = vector.load %arg5[%swap3A_74, %swap3A_75, %swap3A_76] : memref<8x64x128xf32, #tpu.memory_space<vmem>>, vector<1x64x128xf32>
    %swap3A_78 = vector.shape_cast %swap3A_77 : vector<1x64x128xf32> to vector<64x128xf32>
    %swap3A_79 = vector.shape_cast %dot_general3A_73 : vector<64x128xf32> to vector<1x64x128xf32>
    tpu.vector_store %arg5[%swap3A_74, %swap3A_75, %swap3A_76], %swap3A_79 {strides = array<i32>} : memref<8x64x128xf32, #tpu.memory_space<vmem>>, vector<1x64x128xf32>,
    %slice3A_80 = vector.extract_strided_slice %get3A_6 {offsets = [0, 2, 0], sizes = [128, 1, 64], strides = [1, 1, 1]} : vector<128x8x128xf32> to vector<128x1x64xf32>
    %squeeze3A_81 = vector.shape_cast %slice3A_80 : vector<128x1x64xf32> to vector<128x64xf32>
    %slice3A_82 = vector.extract_strided_slice %get3A_2 {offsets = [2, 0, 0], sizes = [1, 128, 128], strides = [1, 1, 1]} : vector<8x128x128xf32> to vector<1x128x128xf32>
    %squeeze3A_83 = vector.shape_cast %slice3A_82 : vector<1x128x128xf32> to vector<128x128xf32>
    %slice3A_84 = vector.extract_strided_slice %squeeze3A_83 {offsets = [0, 0], sizes = [128, 64], strides = [1, 1]} : vector<128x128xf32> to vector<128x64xf32>
    %mul3A_85 = arith.constant 8.000000e+00 : f32
    %mul3A_86 = vector.broadcast %mul3A_85 : f32 to vector<128x64xf32>
    %mul3A_87 = arith.mulf %slice3A_84, %mul3A_86 : vector<128x64xf32>
    %add3A_88 = arith.addf %mul3A_87, %squeeze3A_81 : vector<128x64xf32>
    %iota3A_89 = tpu.iota {dimensions = array<i32: 0>} : vector<128x128xi32>
    %iota3A_90 = tpu.iota {dimensions = array<i32: 1>} : vector<128x128xi32>
    %add3A_91 = arith.constant 0 : i32
    %add3A_92 = vector.broadcast %add3A_91 : i32 to vector<128x128xi32>
    %add3A_93 = arith.addi %iota3A_89, %add3A_92 : vector<128x128xi32>
    %eq3A_94 = arith.cmpi eq, %add3A_93, %iota3A_90 : vector<128x128xi32>
    %convert_element_type3A_95 = arith.extui %eq3A_94 : vector<128x128xi1> to vector<128x128xi32>
    %convert_element_type3A_96 = arith.sitofp %convert_element_type3A_95 : vector<128x128xi32> to vector<128x128xf32>
    %dot_general3A_97 = arith.constant dense<0.000000e+00> : vector<64x128xf32>
    %dot_general3A_98 = tpu.matmul %add3A_88, %convert_element_type3A_96, %dot_general3A_97 {dimension_numbers = #tpu.dot_dimension_numbers<[0], [0], [1], [1], [0, 1, 1, 1], [], []>, transpose_lhs_hint = false} : vector<128x64xf32>, vector<128x128xf32>, vector<64x128xf32> -> vector<64x128xf32>
    %swap3A_99 = arith.constant 2 : index
    %swap3A_100 = arith.constant 0 : index
    %swap3A_101 = arith.constant 0 : index
    %swap3A_102 = vector.load %arg4[%swap3A_99, %swap3A_100, %swap3A_101] : memref<8x64x128xf32, #tpu.memory_space<vmem>>, vector<1x64x128xf32>
    %swap3A_103 = vector.shape_cast %swap3A_102 : vector<1x64x128xf32> to vector<64x128xf32>
    %swap3A_104 = vector.shape_cast %dot_general3A_98 : vector<64x128xf32> to vector<1x64x128xf32>
    tpu.vector_store %arg4[%swap3A_99, %swap3A_100, %swap3A_101], %swap3A_104 {strides = array<i32>} : memref<8x64x128xf32, #tpu.memory_space<vmem>>, vector<1x64x128xf32>,
    %iota3A_105 = tpu.iota {dimensions = array<i32: 0>} : vector<128x128xi32>
    %iota3A_106 = tpu.iota {dimensions = array<i32: 1>} : vector<128x128xi32>
    %add3A_107 = arith.constant 0 : i32
    %add3A_108 = vector.broadcast %add3A_107 : i32 to vector<128x128xi32>
    %add3A_109 = arith.addi %iota3A_105, %add3A_108 : vector<128x128xi32>
    %eq3A_110 = arith.cmpi eq, %add3A_109, %iota3A_106 : vector<128x128xi32>
    %convert_element_type3A_111 = arith.extui %eq3A_110 : vector<128x128xi1> to vector<128x128xi32>
    %convert_element_type3A_112 = arith.sitofp %convert_element_type3A_111 : vector<128x128xi32> to vector<128x128xf32>
    %dot_general3A_113 = arith.constant dense<0.000000e+00> : vector<64x128xf32>
    %dot_general3A_114 = tpu.matmul %squeeze3A_81, %convert_element_type3A_112, %dot_general3A_113 {dimension_numbers = #tpu.dot_dimension_numbers<[0], [0], [1], [1], [0, 1, 1, 1], [], []>, transpose_lhs_hint = false} : vector<128x64xf32>, vector<128x128xf32>, vector<64x128xf32> -> vector<64x128xf32>
    %swap3A_115 = arith.constant 2 : index
    %swap3A_116 = arith.constant 0 : index
    %swap3A_117 = arith.constant 0 : index
    %swap3A_118 = vector.load %arg5[%swap3A_115, %swap3A_116, %swap3A_117] : memref<8x64x128xf32, #tpu.memory_space<vmem>>, vector<1x64x128xf32>
    %swap3A_119 = vector.shape_cast %swap3A_118 : vector<1x64x128xf32> to vector<64x128xf32>
    %swap3A_120 = vector.shape_cast %dot_general3A_114 : vector<64x128xf32> to vector<1x64x128xf32>
    tpu.vector_store %arg5[%swap3A_115, %swap3A_116, %swap3A_117], %swap3A_120 {strides = array<i32>} : memref<8x64x128xf32, #tpu.memory_space<vmem>>, vector<1x64x128xf32>,
    %slice3A_121 = vector.extract_strided_slice %get3A_6 {offsets = [0, 3, 0], sizes = [128, 1, 64], strides = [1, 1, 1]} : vector<128x8x128xf32> to vector<128x1x64xf32>
    %squeeze3A_122 = vector.shape_cast %slice3A_121 : vector<128x1x64xf32> to vector<128x64xf32>
    %slice3A_123 = vector.extract_strided_slice %get3A_2 {offsets = [3, 0, 0], sizes = [1, 128, 128], strides = [1, 1, 1]} : vector<8x128x128xf32> to vector<1x128x128xf32>
    %squeeze3A_124 = vector.shape_cast %slice3A_123 : vector<1x128x128xf32> to vector<128x128xf32>
    %slice3A_125 = vector.extract_strided_slice %squeeze3A_124 {offsets = [0, 0], sizes = [128, 64], strides = [1, 1]} : vector<128x128xf32> to vector<128x64xf32>
    %mul3A_126 = arith.constant 8.000000e+00 : f32
    %mul3A_127 = vector.broadcast %mul3A_126 : f32 to vector<128x64xf32>
    %mul3A_128 = arith.mulf %slice3A_125, %mul3A_127 : vector<128x64xf32>
    %add3A_129 = arith.addf %mul3A_128, %squeeze3A_122 : vector<128x64xf32>
    %iota3A_130 = tpu.iota {dimensions = array<i32: 0>} : vector<128x128xi32>
    %iota3A_131 = tpu.iota {dimensions = array<i32: 1>} : vector<128x128xi32>
    %add3A_132 = arith.constant 0 : i32
    %add3A_133 = vector.broadcast %add3A_132 : i32 to vector<128x128xi32>
    %add3A_134 = arith.addi %iota3A_130, %add3A_133 : vector<128x128xi32>
    %eq3A_135 = arith.cmpi eq, %add3A_134, %iota3A_131 : vector<128x128xi32>
    %convert_element_type3A_136 = arith.extui %eq3A_135 : vector<128x128xi1> to vector<128x128xi32>
    %convert_element_type3A_137 = arith.sitofp %convert_element_type3A_136 : vector<128x128xi32> to vector<128x128xf32>
    %dot_general3A_138 = arith.constant dense<0.000000e+00> : vector<64x128xf32>
    %dot_general3A_139 = tpu.matmul %add3A_129, %convert_element_type3A_137, %dot_general3A_138 {dimension_numbers = #tpu.dot_dimension_numbers<[0], [0], [1], [1], [0, 1, 1, 1], [], []>, transpose_lhs_hint = false} : vector<128x64xf32>, vector<128x128xf32>, vector<64x128xf32> -> vector<64x128xf32>
    %swap3A_140 = arith.constant 3 : index
    %swap3A_141 = arith.constant 0 : index
    %swap3A_142 = arith.constant 0 : index
    %swap3A_143 = vector.load %arg4[%swap3A_140, %swap3A_141, %swap3A_142] : memref<8x64x128xf32, #tpu.memory_space<vmem>>, vector<1x64x128xf32>
    %swap3A_144 = vector.shape_cast %swap3A_143 : vector<1x64x128xf32> to vector<64x128xf32>
    %swap3A_145 = vector.shape_cast %dot_general3A_139 : vector<64x128xf32> to vector<1x64x128xf32>
    tpu.vector_store %arg4[%swap3A_140, %swap3A_141, %swap3A_142], %swap3A_145 {strides = array<i32>} : memref<8x64x128xf32, #tpu.memory_space<vmem>>, vector<1x64x128xf32>,
    %iota3A_146 = tpu.iota {dimensions = array<i32: 0>} : vector<128x128xi32>
    %iota3A_147 = tpu.iota {dimensions = array<i32: 1>} : vector<128x128xi32>
    %add3A_148 = arith.constant 0 : i32
    %add3A_149 = vector.broadcast %add3A_148 : i32 to vector<128x128xi32>
    %add3A_150 = arith.addi %iota3A_146, %add3A_149 : vector<128x128xi32>
    %eq3A_151 = arith.cmpi eq, %add3A_150, %iota3A_147 : vector<128x128xi32>
    %convert_element_type3A_152 = arith.extui %eq3A_151 : vector<128x128xi1> to vector<128x128xi32>
    %convert_element_type3A_153 = arith.sitofp %convert_element_type3A_152 : vector<128x128xi32> to vector<128x128xf32>
    %dot_general3A_154 = arith.constant dense<0.000000e+00> : vector<64x128xf32>
    %dot_general3A_155 = tpu.matmul %squeeze3A_122, %convert_element_type3A_153, %dot_general3A_154 {dimension_numbers = #tpu.dot_dimension_numbers<[0], [0], [1], [1], [0, 1, 1, 1], [], []>, transpose_lhs_hint = false} : vector<128x64xf32>, vector<128x128xf32>, vector<64x128xf32> -> vector<64x128xf32>
    %swap3A_156 = arith.constant 3 : index
    %swap3A_157 = arith.constant 0 : index
    %swap3A_158 = arith.constant 0 : index
    %swap3A_159 = vector.load %arg5[%swap3A_156, %swap3A_157, %swap3A_158] : memref<8x64x128xf32, #tpu.memory_space<vmem>>, vector<1x64x128xf32>
    %swap3A_160 = vector.shape_cast %swap3A_159 : vector<1x64x128xf32> to vector<64x128xf32>
    %swap3A_161 = vector.shape_cast %dot_general3A_155 : vector<64x128xf32> to vector<1x64x128xf32>
    tpu.vector_store %arg5[%swap3A_156, %swap3A_157, %swap3A_158], %swap3A_161 {strides = array<i32>} : memref<8x64x128xf32, #tpu.memory_space<vmem>>, vector<1x64x128xf32>,
    %slice3A_162 = vector.extract_strided_slice %get3A_6 {offsets = [0, 4, 0], sizes = [128, 1, 64], strides = [1, 1, 1]} : vector<128x8x128xf32> to vector<128x1x64xf32>
    %squeeze3A_163 = vector.shape_cast %slice3A_162 : vector<128x1x64xf32> to vector<128x64xf32>
    %slice3A_164 = vector.extract_strided_slice %get3A_2 {offsets = [4, 0, 0], sizes = [1, 128, 128], strides = [1, 1, 1]} : vector<8x128x128xf32> to vector<1x128x128xf32>
    %squeeze3A_165 = vector.shape_cast %slice3A_164 : vector<1x128x128xf32> to vector<128x128xf32>
    %slice3A_166 = vector.extract_strided_slice %squeeze3A_165 {offsets = [0, 0], sizes = [128, 64], strides = [1, 1]} : vector<128x128xf32> to vector<128x64xf32>
    %mul3A_167 = arith.constant 8.000000e+00 : f32
    %mul3A_168 = vector.broadcast %mul3A_167 : f32 to vector<128x64xf32>
    %mul3A_169 = arith.mulf %slice3A_166, %mul3A_168 : vector<128x64xf32>
    %add3A_170 = arith.addf %mul3A_169, %squeeze3A_163 : vector<128x64xf32>
    %iota3A_171 = tpu.iota {dimensions = array<i32: 0>} : vector<128x128xi32>
    %iota3A_172 = tpu.iota {dimensions = array<i32: 1>} : vector<128x128xi32>
    %add3A_173 = arith.constant 0 : i32
    %add3A_174 = vector.broadcast %add3A_173 : i32 to vector<128x128xi32>
    %add3A_175 = arith.addi %iota3A_171, %add3A_174 : vector<128x128xi32>
    %eq3A_176 = arith.cmpi eq, %add3A_175, %iota3A_172 : vector<128x128xi32>
    %convert_element_type3A_177 = arith.extui %eq3A_176 : vector<128x128xi1> to vector<128x128xi32>
    %convert_element_type3A_178 = arith.sitofp %convert_element_type3A_177 : vector<128x128xi32> to vector<128x128xf32>
    %dot_general3A_179 = arith.constant dense<0.000000e+00> : vector<64x128xf32>
    %dot_general3A_180 = tpu.matmul %add3A_170, %convert_element_type3A_178, %dot_general3A_179 {dimension_numbers = #tpu.dot_dimension_numbers<[0], [0], [1], [1], [0, 1, 1, 1], [], []>, transpose_lhs_hint = false} : vector<128x64xf32>, vector<128x128xf32>, vector<64x128xf32> -> vector<64x128xf32>
    %swap3A_181 = arith.constant 4 : index
    %swap3A_182 = arith.constant 0 : index
    %swap3A_183 = arith.constant 0 : index
    %swap3A_184 = vector.load %arg4[%swap3A_181, %swap3A_182, %swap3A_183] : memref<8x64x128xf32, #tpu.memory_space<vmem>>, vector<1x64x128xf32>
    %swap3A_185 = vector.shape_cast %swap3A_184 : vector<1x64x128xf32> to vector<64x128xf32>
    %swap3A_186 = vector.shape_cast %dot_general3A_180 : vector<64x128xf32> to vector<1x64x128xf32>
    tpu.vector_store %arg4[%swap3A_181, %swap3A_182, %swap3A_183], %swap3A_186 {strides = array<i32>} : memref<8x64x128xf32, #tpu.memory_space<vmem>>, vector<1x64x128xf32>,
    %iota3A_187 = tpu.iota {dimensions = array<i32: 0>} : vector<128x128xi32>
    %iota3A_188 = tpu.iota {dimensions = array<i32: 1>} : vector<128x128xi32>
    %add3A_189 = arith.constant 0 : i32
    %add3A_190 = vector.broadcast %add3A_189 : i32 to vector<128x128xi32>
    %add3A_191 = arith.addi %iota3A_187, %add3A_190 : vector<128x128xi32>
    %eq3A_192 = arith.cmpi eq, %add3A_191, %iota3A_188 : vector<128x128xi32>
    %convert_element_type3A_193 = arith.extui %eq3A_192 : vector<128x128xi1> to vector<128x128xi32>
    %convert_element_type3A_194 = arith.sitofp %convert_element_type3A_193 : vector<128x128xi32> to vector<128x128xf32>
    %dot_general3A_195 = arith.constant dense<0.000000e+00> : vector<64x128xf32>
    %dot_general3A_196 = tpu.matmul %squeeze3A_163, %convert_element_type3A_194, %dot_general3A_195 {dimension_numbers = #tpu.dot_dimension_numbers<[0], [0], [1], [1], [0, 1, 1, 1], [], []>, transpose_lhs_hint = false} : vector<128x64xf32>, vector<128x128xf32>, vector<64x128xf32> -> vector<64x128xf32>
    %swap3A_197 = arith.constant 4 : index
    %swap3A_198 = arith.constant 0 : index
    %swap3A_199 = arith.constant 0 : index
    %swap3A_200 = vector.load %arg5[%swap3A_197, %swap3A_198, %swap3A_199] : memref<8x64x128xf32, #tpu.memory_space<vmem>>, vector<1x64x128xf32>
    %swap3A_201 = vector.shape_cast %swap3A_200 : vector<1x64x128xf32> to vector<64x128xf32>
    %swap3A_202 = vector.shape_cast %dot_general3A_196 : vector<64x128xf32> to vector<1x64x128xf32>
    tpu.vector_store %arg5[%swap3A_197, %swap3A_198, %swap3A_199], %swap3A_202 {strides = array<i32>} : memref<8x64x128xf32, #tpu.memory_space<vmem>>, vector<1x64x128xf32>,
    %slice3A_203 = vector.extract_strided_slice %get3A_6 {offsets = [0, 5, 0], sizes = [128, 1, 64], strides = [1, 1, 1]} : vector<128x8x128xf32> to vector<128x1x64xf32>
    %squeeze3A_204 = vector.shape_cast %slice3A_203 : vector<128x1x64xf32> to vector<128x64xf32>
    %slice3A_205 = vector.extract_strided_slice %get3A_2 {offsets = [5, 0, 0], sizes = [1, 128, 128], strides = [1, 1, 1]} : vector<8x128x128xf32> to vector<1x128x128xf32>
    %squeeze3A_206 = vector.shape_cast %slice3A_205 : vector<1x128x128xf32> to vector<128x128xf32>
    %slice3A_207 = vector.extract_strided_slice %squeeze3A_206 {offsets = [0, 0], sizes = [128, 64], strides = [1, 1]} : vector<128x128xf32> to vector<128x64xf32>
    %mul3A_208 = arith.constant 8.000000e+00 : f32
    %mul3A_209 = vector.broadcast %mul3A_208 : f32 to vector<128x64xf32>
    %mul3A_210 = arith.mulf %slice3A_207, %mul3A_209 : vector<128x64xf32>
    %add3A_211 = arith.addf %mul3A_210, %squeeze3A_204 : vector<128x64xf32>
    %iota3A_212 = tpu.iota {dimensions = array<i32: 0>} : vector<128x128xi32>
    %iota3A_213 = tpu.iota {dimensions = array<i32: 1>} : vector<128x128xi32>
    %add3A_214 = arith.constant 0 : i32
    %add3A_215 = vector.broadcast %add3A_214 : i32 to vector<128x128xi32>
    %add3A_216 = arith.addi %iota3A_212, %add3A_215 : vector<128x128xi32>
    %eq3A_217 = arith.cmpi eq, %add3A_216, %iota3A_213 : vector<128x128xi32>
    %convert_element_type3A_218 = arith.extui %eq3A_217 : vector<128x128xi1> to vector<128x128xi32>
    %convert_element_type3A_219 = arith.sitofp %convert_element_type3A_218 : vector<128x128xi32> to vector<128x128xf32>
    %dot_general3A_220 = arith.constant dense<0.000000e+00> : vector<64x128xf32>
    %dot_general3A_221 = tpu.matmul %add3A_211, %convert_element_type3A_219, %dot_general3A_220 {dimension_numbers = #tpu.dot_dimension_numbers<[0], [0], [1], [1], [0, 1, 1, 1], [], []>, transpose_lhs_hint = false} : vector<128x64xf32>, vector<128x128xf32>, vector<64x128xf32> -> vector<64x128xf32>
    %swap3A_222 = arith.constant 5 : index
    %swap3A_223 = arith.constant 0 : index
    %swap3A_224 = arith.constant 0 : index
    %swap3A_225 = vector.load %arg4[%swap3A_222, %swap3A_223, %swap3A_224] : memref<8x64x128xf32, #tpu.memory_space<vmem>>, vector<1x64x128xf32>
    %swap3A_226 = vector.shape_cast %swap3A_225 : vector<1x64x128xf32> to vector<64x128xf32>
    %swap3A_227 = vector.shape_cast %dot_general3A_221 : vector<64x128xf32> to vector<1x64x128xf32>
    tpu.vector_store %arg4[%swap3A_222, %swap3A_223, %swap3A_224], %swap3A_227 {strides = array<i32>} : memref<8x64x128xf32, #tpu.memory_space<vmem>>, vector<1x64x128xf32>,
    %iota3A_228 = tpu.iota {dimensions = array<i32: 0>} : vector<128x128xi32>
    %iota3A_229 = tpu.iota {dimensions = array<i32: 1>} : vector<128x128xi32>
    %add3A_230 = arith.constant 0 : i32
    %add3A_231 = vector.broadcast %add3A_230 : i32 to vector<128x128xi32>
    %add3A_232 = arith.addi %iota3A_228, %add3A_231 : vector<128x128xi32>
    %eq3A_233 = arith.cmpi eq, %add3A_232, %iota3A_229 : vector<128x128xi32>
    %convert_element_type3A_234 = arith.extui %eq3A_233 : vector<128x128xi1> to vector<128x128xi32>
    %convert_element_type3A_235 = arith.sitofp %convert_element_type3A_234 : vector<128x128xi32> to vector<128x128xf32>
    %dot_general3A_236 = arith.constant dense<0.000000e+00> : vector<64x128xf32>
    %dot_general3A_237 = tpu.matmul %squeeze3A_204, %convert_element_type3A_235, %dot_general3A_236 {dimension_numbers = #tpu.dot_dimension_numbers<[0], [0], [1], [1], [0, 1, 1, 1], [], []>, transpose_lhs_hint = false} : vector<128x64xf32>, vector<128x128xf32>, vector<64x128xf32> -> vector<64x128xf32>
    %swap3A_238 = arith.constant 5 : index
    %swap3A_239 = arith.constant 0 : index
    %swap3A_240 = arith.constant 0 : index
    %swap3A_241 = vector.load %arg5[%swap3A_238, %swap3A_239, %swap3A_240] : memref<8x64x128xf32, #tpu.memory_space<vmem>>, vector<1x64x128xf32>
    %swap3A_242 = vector.shape_cast %swap3A_241 : vector<1x64x128xf32> to vector<64x128xf32>
    %swap3A_243 = vector.shape_cast %dot_general3A_237 : vector<64x128xf32> to vector<1x64x128xf32>
    tpu.vector_store %arg5[%swap3A_238, %swap3A_239, %swap3A_240], %swap3A_243 {strides = array<i32>} : memref<8x64x128xf32, #tpu.memory_space<vmem>>, vector<1x64x128xf32>,
    %slice3A_244 = vector.extract_strided_slice %get3A_6 {offsets = [0, 6, 0], sizes = [128, 1, 64], strides = [1, 1, 1]} : vector<128x8x128xf32> to vector<128x1x64xf32>
    %squeeze3A_245 = vector.shape_cast %slice3A_244 : vector<128x1x64xf32> to vector<128x64xf32>
    %slice3A_246 = vector.extract_strided_slice %get3A_2 {offsets = [6, 0, 0], sizes = [1, 128, 128], strides = [1, 1, 1]} : vector<8x128x128xf32> to vector<1x128x128xf32>
    %squeeze3A_247 = vector.shape_cast %slice3A_246 : vector<1x128x128xf32> to vector<128x128xf32>
    %slice3A_248 = vector.extract_strided_slice %squeeze3A_247 {offsets = [0, 0], sizes = [128, 64], strides = [1, 1]} : vector<128x128xf32> to vector<128x64xf32>
    %mul3A_249 = arith.constant 8.000000e+00 : f32
    %mul3A_250 = vector.broadcast %mul3A_249 : f32 to vector<128x64xf32>
    %mul3A_251 = arith.mulf %slice3A_248, %mul3A_250 : vector<128x64xf32>
    %add3A_252 = arith.addf %mul3A_251, %squeeze3A_245 : vector<128x64xf32>
    %iota3A_253 = tpu.iota {dimensions = array<i32: 0>} : vector<128x128xi32>
    %iota3A_254 = tpu.iota {dimensions = array<i32: 1>} : vector<128x128xi32>
    %add3A_255 = arith.constant 0 : i32
    %add3A_256 = vector.broadcast %add3A_255 : i32 to vector<128x128xi32>
    %add3A_257 = arith.addi %iota3A_253, %add3A_256 : vector<128x128xi32>
    %eq3A_258 = arith.cmpi eq, %add3A_257, %iota3A_254 : vector<128x128xi32>
    %convert_element_type3A_259 = arith.extui %eq3A_258 : vector<128x128xi1> to vector<128x128xi32>
    %convert_element_type3A_260 = arith.sitofp %convert_element_type3A_259 : vector<128x128xi32> to vector<128x128xf32>
    %dot_general3A_261 = arith.constant dense<0.000000e+00> : vector<64x128xf32>
    %dot_general3A_262 = tpu.matmul %add3A_252, %convert_element_type3A_260, %dot_general3A_261 {dimension_numbers = #tpu.dot_dimension_numbers<[0], [0], [1], [1], [0, 1, 1, 1], [], []>, transpose_lhs_hint = false} : vector<128x64xf32>, vector<128x128xf32>, vector<64x128xf32> -> vector<64x128xf32>
    %swap3A_263 = arith.constant 6 : index
    %swap3A_264 = arith.constant 0 : index
    %swap3A_265 = arith.constant 0 : index
    %swap3A_266 = vector.load %arg4[%swap3A_263, %swap3A_264, %swap3A_265] : memref<8x64x128xf32, #tpu.memory_space<vmem>>, vector<1x64x128xf32>
    %swap3A_267 = vector.shape_cast %swap3A_266 : vector<1x64x128xf32> to vector<64x128xf32>
    %swap3A_268 = vector.shape_cast %dot_general3A_262 : vector<64x128xf32> to vector<1x64x128xf32>
    tpu.vector_store %arg4[%swap3A_263, %swap3A_264, %swap3A_265], %swap3A_268 {strides = array<i32>} : memref<8x64x128xf32, #tpu.memory_space<vmem>>, vector<1x64x128xf32>,
    %iota3A_269 = tpu.iota {dimensions = array<i32: 0>} : vector<128x128xi32>
    %iota3A_270 = tpu.iota {dimensions = array<i32: 1>} : vector<128x128xi32>
    %add3A_271 = arith.constant 0 : i32
    %add3A_272 = vector.broadcast %add3A_271 : i32 to vector<128x128xi32>
    %add3A_273 = arith.addi %iota3A_269, %add3A_272 : vector<128x128xi32>
    %eq3A_274 = arith.cmpi eq, %add3A_273, %iota3A_270 : vector<128x128xi32>
    %convert_element_type3A_275 = arith.extui %eq3A_274 : vector<128x128xi1> to vector<128x128xi32>
    %convert_element_type3A_276 = arith.sitofp %convert_element_type3A_275 : vector<128x128xi32> to vector<128x128xf32>
    %dot_general3A_277 = arith.constant dense<0.000000e+00> : vector<64x128xf32>
    %dot_general3A_278 = tpu.matmul %squeeze3A_245, %convert_element_type3A_276, %dot_general3A_277 {dimension_numbers = #tpu.dot_dimension_numbers<[0], [0], [1], [1], [0, 1, 1, 1], [], []>, transpose_lhs_hint = false} : vector<128x64xf32>, vector<128x128xf32>, vector<64x128xf32> -> vector<64x128xf32>
    %swap3A_279 = arith.constant 6 : index
    %swap3A_280 = arith.constant 0 : index
    %swap3A_281 = arith.constant 0 : index
    %swap3A_282 = vector.load %arg5[%swap3A_279, %swap3A_280, %swap3A_281] : memref<8x64x128xf32, #tpu.memory_space<vmem>>, vector<1x64x128xf32>
    %swap3A_283 = vector.shape_cast %swap3A_282 : vector<1x64x128xf32> to vector<64x128xf32>
    %swap3A_284 = vector.shape_cast %dot_general3A_278 : vector<64x128xf32> to vector<1x64x128xf32>
    tpu.vector_store %arg5[%swap3A_279, %swap3A_280, %swap3A_281], %swap3A_284 {strides = array<i32>} : memref<8x64x128xf32, #tpu.memory_space<vmem>>, vector<1x64x128xf32>,
    %slice3A_285 = vector.extract_strided_slice %get3A_6 {offsets = [0, 7, 0], sizes = [128, 1, 64], strides = [1, 1, 1]} : vector<128x8x128xf32> to vector<128x1x64xf32>
    %squeeze3A_286 = vector.shape_cast %slice3A_285 : vector<128x1x64xf32> to vector<128x64xf32>
    %slice3A_287 = vector.extract_strided_slice %get3A_2 {offsets = [7, 0, 0], sizes = [1, 128, 128], strides = [1, 1, 1]} : vector<8x128x128xf32> to vector<1x128x128xf32>
    %squeeze3A_288 = vector.shape_cast %slice3A_287 : vector<1x128x128xf32> to vector<128x128xf32>
    %slice3A_289 = vector.extract_strided_slice %squeeze3A_288 {offsets = [0, 0], sizes = [128, 64], strides = [1, 1]} : vector<128x128xf32> to vector<128x64xf32>
    %mul3A_290 = arith.constant 8.000000e+00 : f32
    %mul3A_291 = vector.broadcast %mul3A_290 : f32 to vector<128x64xf32>
    %mul3A_292 = arith.mulf %slice3A_289, %mul3A_291 : vector<128x64xf32>
    %add3A_293 = arith.addf %mul3A_292, %squeeze3A_286 : vector<128x64xf32>
    %iota3A_294 = tpu.iota {dimensions = array<i32: 0>} : vector<128x128xi32>
    %iota3A_295 = tpu.iota {dimensions = array<i32: 1>} : vector<128x128xi32>
    %add3A_296 = arith.constant 0 : i32
    %add3A_297 = vector.broadcast %add3A_296 : i32 to vector<128x128xi32>
    %add3A_298 = arith.addi %iota3A_294, %add3A_297 : vector<128x128xi32>
    %eq3A_299 = arith.cmpi eq, %add3A_298, %iota3A_295 : vector<128x128xi32>
    %convert_element_type3A_300 = arith.extui %eq3A_299 : vector<128x128xi1> to vector<128x128xi32>
    %convert_element_type3A_301 = arith.sitofp %convert_element_type3A_300 : vector<128x128xi32> to vector<128x128xf32>
    %dot_general3A_302 = arith.constant dense<0.000000e+00> : vector<64x128xf32>
    %dot_general3A_303 = tpu.matmul %add3A_293, %convert_element_type3A_301, %dot_general3A_302 {dimension_numbers = #tpu.dot_dimension_numbers<[0], [0], [1], [1], [0, 1, 1, 1], [], []>, transpose_lhs_hint = false} : vector<128x64xf32>, vector<128x128xf32>, vector<64x128xf32> -> vector<64x128xf32>
    %swap3A_304 = arith.constant 7 : index
    %swap3A_305 = arith.constant 0 : index
    %swap3A_306 = arith.constant 0 : index
    %swap3A_307 = vector.load %arg4[%swap3A_304, %swap3A_305, %swap3A_306] : memref<8x64x128xf32, #tpu.memory_space<vmem>>, vector<1x64x128xf32>
    %swap3A_308 = vector.shape_cast %swap3A_307 : vector<1x64x128xf32> to vector<64x128xf32>
    %swap3A_309 = vector.shape_cast %dot_general3A_303 : vector<64x128xf32> to vector<1x64x128xf32>
    tpu.vector_store %arg4[%swap3A_304, %swap3A_305, %swap3A_306], %swap3A_309 {strides = array<i32>} : memref<8x64x128xf32, #tpu.memory_space<vmem>>, vector<1x64x128xf32>,
    %iota3A_310 = tpu.iota {dimensions = array<i32: 0>} : vector<128x128xi32>
    %iota3A_311 = tpu.iota {dimensions = array<i32: 1>} : vector<128x128xi32>
    %add3A_312 = arith.constant 0 : i32
    %add3A_313 = vector.broadcast %add3A_312 : i32 to vector<128x128xi32>
    %add3A_314 = arith.addi %iota3A_310, %add3A_313 : vector<128x128xi32>
    %eq3A_315 = arith.cmpi eq, %add3A_314, %iota3A_311 : vector<128x128xi32>
    %convert_element_type3A_316 = arith.extui %eq3A_315 : vector<128x128xi1> to vector<128x128xi32>
    %convert_element_type3A_317 = arith.sitofp %convert_element_type3A_316 : vector<128x128xi32> to vector<128x128xf32>
    %dot_general3A_318 = arith.constant dense<0.000000e+00> : vector<64x128xf32>
    %dot_general3A_319 = tpu.matmul %squeeze3A_286, %convert_element_type3A_317, %dot_general3A_318 {dimension_numbers = #tpu.dot_dimension_numbers<[0], [0], [1], [1], [0, 1, 1, 1], [], []>, transpose_lhs_hint = false} : vector<128x64xf32>, vector<128x128xf32>, vector<64x128xf32> -> vector<64x128xf32>
    %swap3A_320 = arith.constant 7 : index
    %swap3A_321 = arith.constant 0 : index
    %swap3A_322 = arith.constant 0 : index
    %swap3A_323 = vector.load %arg5[%swap3A_320, %swap3A_321, %swap3A_322] : memref<8x64x128xf32, #tpu.memory_space<vmem>>, vector<1x64x128xf32>
    %swap3A_324 = vector.shape_cast %swap3A_323 : vector<1x64x128xf32> to vector<64x128xf32>
    %swap3A_325 = vector.shape_cast %dot_general3A_319 : vector<64x128xf32> to vector<1x64x128xf32>
    tpu.vector_store %arg5[%swap3A_320, %swap3A_321, %swap3A_322], %swap3A_325 {strides = array<i32>} : memref<8x64x128xf32, #tpu.memory_space<vmem>>, vector<1x64x128xf32>,
    return
  }
  func.func @transform_0(%arg0: i32, %arg1: i32) -> (i32, i32, i32) {
    %c0_i32 = arith.constant 0 : i32
    %c0_i32_0 = arith.constant 0 : i32
    return %arg1, %arg0, %c0_i32 : i32, i32, i32
  }
  func.func @transform_1(%arg0: i32, %arg1: i32) -> (i32, i32, i32) {
    %c0_i32 = arith.constant 0 : i32
    %c0_i32_0 = arith.constant 0 : i32
    return %arg0, %arg1, %c0_i32 : i32, i32, i32
  }
  func.func @transform_2(%arg0: i32, %arg1: i32) -> (i32, i32, i32) {
    %c0_i32 = arith.constant 0 : i32
    %c0_i32_0 = arith.constant 0 : i32
    return %arg1, %c0_i32, %arg0 : i32, i32, i32
  }
  func.func @transform_3(%arg0: i32, %arg1: i32) -> (i32, i32, i32) {
    %c0_i32 = arith.constant 0 : i32
    %c0_i32_0 = arith.constant 0 : i32
    return %arg1, %c0_i32, %arg0 : i32, i32, i32
  }
}

</mosaic_0001>

<sc_bundles>
// kernel: _impl.5.cloned.1.call-start
scs
__scs_entry_jumppad:
0x0: {  	(pc) =	sbr.rel $0x88, $3  }
0x1: {  	(tag) =	ssettag $0x0;
	lr =	simm.s32 $0x1  }
0x2: {  	[smem:$0x3F9E] =	sst lr;
	_ =	strace $0xD0000000  }
0x3: {  	_ = 	snop  }
0x4: {  	_ = 	snop  }
0x5: {  	_ = 	snop  }
0x6: {  	_ = 	snop  }
0x7: {  	_ = 	snop  }
__scs_overlays_trampoline_lowered:
0x8: {  	[smem:$0x3FAD] =	sst s0  }
0x9: {  	[smem:$0x3FAE] =	sst s1  }
0xa: {  	[smem:$0x3FAF] =	sst s2  }
0xb: {  	[smem:$0x3FB0] =	sst s3  }
0xc: {  	[smem:$0x3FB1] =	sst s4  }
0xd: {  	[smem:$0x3FB2] =	sst s5  }
0xe: {  	[smem:$0x3FB3] =	sst s6  }
0xf: {  	[smem:$0x3FB4] =	sst s7  }
0x10: {  	[smem:$0x3FB5] =	sst s8  }
0x11: {  	[smem:$0x3FB6] =	sst s9;
	s0 =	simm.s32 @!p0 $0x0  }
0x12: {  	s1 =	sld [smem:$0x3F9C];
	s0 =	simm.s32 @p0 $0x1  }
0x13: {  	[smem:$0x3FB7] =	sst s0;
	s0 =	simm.s32 @!p1 $0x0  }
0x14: {  	s2 =	sld [smem:$0x3F9B];
	s0 =	simm.s32 @p1 $0x1  }
0x15: {  	[smem:$0x3FB8] =	sst s0;
	s0 =	simm.s32 @!p2 $0x0  }
0x16: {  	s3 =	sld [smem:$0x3FDB];
	s0 =	simm.s32 @p2 $0x1  }
0x17: {  	s4 =	simm.s32 $0x1BF5;
	[smem:$0x3FBA] =	sst s0  }
0x18: {  	s0 =	sld [smem:$0x3F9D];
	_ =	swait.ge [sflag:s4], $0x0  }
0x19: {  	s7 =	sld [smem:$0x3F9E]  }
0x1a: {  	s8 =	sadd.s32 $0xFFFFE003, lr  }
0x1b: {  	s9 =	sadd.s32 $0xFFFFFEF7, lr;
	s5 =	simm.s32 $0xFFFFFFFF;
	p2 =	slt.u32 s8, $0xFFFFF086  }
0x1c: {  	p1 =	slt.u32 s9, $0xF7A;
	s5 =	simm.s32 @!p2 $0x0  }
0x1d: {  	s5 =	simm.s32 @p1 $0x1;
	p0 =	seq.s32 s7, s2  }
0x1e: {  	s7 =	smul.u32 @!p0 $0xF7A, s2;
	p2 =	seq.s32 @!p0 s5, $0x0  }
0x1f: {  	s9 =	smul.u32 $0xF7A, s1;
	s8 =	simm.s32 @!p0 $0x1BF5;
	p2 =	por !p2, p0  }
0x20: {  	[sflag:s8] =	ssyncset.s32 @!p0 $0xFFFFF086;
	s6 =	sadd.s32 @!p0 s3, s7;
	s7 =	simm.s32 @!p0 $0x108  }
0x21: {  	s3 =	sadd.s32 s3, s9;
	s6 =	sadd.s32 @!p0 $0x88, s6;
	s7 =	simm.s32 @p2 $0x1082  }
0x22: {  	[simem:s7], [sflag:s8] =	dma.local @!p0 [hbm:s6], $0xF7A  }
0x23: {  	s9 =	sor.u32 $0xD0000000, s2;
	s6 =	simm.s32 $0x108;
	_ =	swait.ge @!p0 [sflag:s8], $0x0  }
0x24: {  	s3 =	sadd.s32 $0x88, s3;
	s6 =	simm.s32 @!p1 $0x1082;
	[sflag:s4] =	ssyncset.s32 $0xFFFFF086  }
0x25: {  	[simem:s6], [sflag:s4] =	dma.local [hbm:s3], $0xF7A  }
0x26: {  	[smem:$0x3F9E] =	sst s1;
	(tag) =	ssettag s2;
	_ =	strace s9  }
0x27: {  	s1 =	sld [smem:$0x3FAE]  }
0x28: {  	s2 =	sld [smem:$0x3FAF]  }
0x29: {  	s4 =	sld [smem:$0x3FB1]  }
0x2a: {  	p0 =	seq.s32 s5, $0x0;
	s5 =	sld [smem:$0x3FB2]  }
0x2b: {  	s6 =	sld [smem:$0x3FB3]  }
0x2c: {  	s7 =	sld [smem:$0x3FB4]  }
0x2d: {  	s3 =	simm.s32 $0x108;
	s8 =	sld [smem:$0x3FB5]  }
0x2e: {  	s3 =	simm.s32 @!p0 $0x1082;
	s9 =	sld [smem:$0x3FB6]  }
0x2f: {  	lr =	sadd.s32 s0, s3;
	s0 =	sld [smem:$0x3FAD]  }
0x30: {  	s3 =	sld [smem:$0x3FB0]  }
0x31: {  	[smem:$0x3FB9] =	sst s10  }
0x32: {  	s10 =	sld [smem:$0x3FB7];
	_ =	sdelay $0x3  }
0x33: {  	p0 =	seq.s32 s10, $0x1;
	s10 =	sld [smem:$0x3FB9];
	_ =	sdelay $0x3  }
0x34: {  	[smem:$0x3FB9] =	sst s10  }
0x35: {  	s10 =	sld [smem:$0x3FB8];
	_ =	sdelay $0x3  }
0x36: {  	p1 =	seq.s32 s10, $0x1;
	s10 =	sld [smem:$0x3FB9];
	_ =	sdelay $0x3  }
0x37: {  	[smem:$0x3FB9] =	sst s10  }
0x38: {  	s10 =	sld [smem:$0x3FBA]  }
0x39: {  	_ = 	snop;
	(pc) =	sbr.ind lr, $3  }
0x3a: {  	_ = 	snop  }
0x3b: {  	_ = 	snop  }
0x3c: {  	p2 =	seq.s32 s10, $0x1;
	s10 =	sld [smem:$0x3FB9]  }
0x3d: {  	_ =	shalt  }
0x3e: {  	_ =	shalt  }
0x3f: {  	_ =	shalt  }
0x40: {  	_ =	shalt  }
0x41: {  	_ =	shalt  }
0x42: {  	_ =	shalt  }
0x43: {  	_ =	shalt  }
0x44: {  	_ =	shalt  }
0x45: {  	_ =	shalt  }
0x46: {  	_ =	shalt  }
0x47: {  	_ =	shalt  }
0x48: {  	_ =	shalt  }
0x49: {  	_ =	shalt  }
0x4a: {  	_ =	shalt  }
0x4b: {  	_ =	shalt  }
0x4c: {  	_ =	shalt  }
0x4d: {  	_ =	shalt  }
0x4e: {  	_ =	shalt  }
0x4f: {  	_ =	shalt  }
0x50: {  	_ =	shalt  }
0x51: {  	_ =	shalt  }
0x52: {  	_ =	shalt  }
0x53: {  	_ =	shalt  }
0x54: {  	_ =	shalt  }
0x55: {  	_ =	shalt  }
0x56: {  	_ =	shalt  }
0x57: {  	_ =	shalt  }
0x58: {  	_ =	shalt  }
0x59: {  	_ =	shalt  }
0x5a: {  	_ =	shalt  }
0x5b: {  	_ =	shalt  }
0x5c: {  	_ =	shalt  }
0x5d: {  	_ =	shalt  }
0x5e: {  	_ =	shalt  }
0x5f: {  	_ =	shalt  }
0x60: {  	_ =	shalt  }
0x61: {  	_ =	shalt  }
0x62: {  	_ =	shalt  }
0x63: {  	_ =	shalt  }
0x64: {  	_ =	shalt  }
0x65: {  	_ =	shalt  }
0x66: {  	_ =	shalt  }
0x67: {  	_ =	shalt  }
0x68: {  	_ =	shalt  }
0x69: {  	_ =	shalt  }
0x6a: {  	_ =	shalt  }
0x6b: {  	_ =	shalt  }
0x6c: {  	_ =	shalt  }
0x6d: {  	_ =	shalt  }
0x6e: {  	_ =	shalt  }
0x6f: {  	_ =	shalt  }
0x70: {  	_ =	shalt  }
0x71: {  	_ =	shalt  }
0x72: {  	_ =	shalt  }
0x73: {  	_ =	shalt  }
0x74: {  	_ =	shalt  }
0x75: {  	_ =	shalt  }
0x76: {  	_ =	shalt  }
0x77: {  	_ =	shalt  }
0x78: {  	_ =	shalt  }
0x79: {  	_ =	shalt  }
0x7a: {  	_ =	shalt  }
0x7b: {  	_ =	shalt  }
0x7c: {  	_ =	shalt  }
0x7d: {  	_ =	shalt  }
0x7e: {  	_ =	shalt  }
0x7f: {  	_ =	shalt  }
0x80: {  	_ =	shalt  }
0x81: {  	_ =	shalt  }
0x82: {  	_ =	shalt  }
0x83: {  	_ =	shalt  }
0x84: {  	_ =	shalt  }
0x85: {  	_ =	shalt  }
0x86: {  	_ =	shalt  }
0x87: {  	_ =	shalt  }
.Lfunc_end0:
.L_simem_size_0:
called_computation_lowered:
.L_overlay_start_0:
0x88: {  	s2 =	sld [smem:$0x3FD9]  }
0x89: {  	s3 =	sld [smem:$0x3FFE];
	_ =	sdelay $0x1  }
0x8a: {  	s1 =	srdreg.scid  }
0x8b: {  	s0 =	sand.u32 $0x1, s1  }
0x8c: {  	s14 =	sshll.u32 s0, $0xA;
	s2 =	sadd.s32 s3, s2  }
0x8d: {  	s2 =	sadd.s32 s2, s14  }
0x8e: {  	[smem:$0x3FC5] =	sst s2  }
0x8f: {  	_ = 	snop  }
0x90: {  	s2 =	sld [smem:$0x3FD0];
	_ =	sdelay $0x2  }
0x91: {  	s15 =	simm.s32 $0xA;
	s4 =	simm.s32 $0x10  }
0x92: {  	[smem:s4], [sflag:s15] =	dma.local [hbm:s2], $0x1  }
0x93: {  	_ =	swait.eq [sflag:s15], $0x1  }
0x94: {  	[sflag:s15] =	ssyncset.done $0x0  }
0x95: {  	s16 =	sld [smem:$0x10];
	[sflag:s15] =	ssyncadd.s32 $0xFFFFFFFF  }
0x96: {  	s17 =	sld [smem:$0x12];
	(tm) =	ssettm $0x1  }
0x97: {  	s18 =	sld [smem:$0x3FFB];
	_ =	sdelay $0x3  }
0x98: {  	_ =	strace s18  }
0x99: {  	s4 =	sld [smem:$0x3FFC];
	_ =	sdelay $0x3  }
0x9a: {  	_ =	strace s4  }
0x9b: {  	s4 =	sld [smem:$0x3FFD];
	_ =	sdelay $0x3  }
0x9c: {  	_ =	strace s4  }
0x9d: {  	_ =	strace $0x8FFFFFFF  }
0x9e: {  	s19 =	sld [smem:$0x3FDB];
	_ =	sdelay $0x1  }
0x9f: {  	s5 =	simm.s32 $_scs_section_size  }
0xa0: {  	s6 =	simm.s32 $_size__tile_overlayer_lowered;
	s7 =	simm.s32 $_tile_overlayer_lowered  }
0xa1: {  	s22 =	simm.s32 $0x1BFF;
	s21 =	sshll.u32 s7, $0x1;
	s4 =	sadd.s32 s5, s19  }
0xa2: {  	s8 =	simm.s32 $0x0;
	s20 =	sshll.u32 s6, $0x1;
	s6 =	sadd.s32 s21, s4  }
0xa3: {  	[timem:s8], [sflag:s22] =	dma.local [hbm:s6], s20  }
0xa4: {  	_ =	swait.ge [sflag:s22], s20  }
0xa5: {  	s5 =	ssub.s32 $0x0, s20;
	[sflag:s22] =	ssyncset.done $0x0  }
0xa6: {  	[sflag:s22] =	ssyncadd.s32 s5;
	_ =	sdelay $0x1  }
0xa7: {  	s23 =	simm.s32 $0x1B8B  }
0xa8: {  	_ =	swait.ge [sflag:s23], $0x1  }
0xa9: {  	[sflag:s23] =	ssyncset.done $0x0  }
0xaa: {  	s25 =	simm.s32 $0x1B8E;
	s24 =	sld [smem:$0x3FFE];
	[sflag:s23] =	ssyncadd.s32 $0xFFFFFFFF  }
0xab: {  	s26 =	simm.s32 $execute0_lowered;
	[smem:$0x3FD2] =	sst s25  }
0xac: {  	s6 =	sshll.u32 s26, $0x1;
	_ =	strace $0x80000046;
	[dreg:$0x1] =	wrdreg $0xFFFFFFFF  }
0xad: {  	s28 =	simm.s32 $_size_execute0_lowered;
	s4 =	sadd.s32 s4, s6;
	[dreg:$0x0] =	wrdreg $0x0  }
0xae: {  	s6 =	sshll.u32 s28, $0x1;
	[dreg:$0x2] =	wrdreg s4  }
0xaf: {  	[dreg:$0x3] =	wrdreg s6  }
0xb0: {  	[dreg:$0x4] =	wrdreg $0xC0  }
0xb1: {  	_ =	task [dreg:s8], $0x5FFFF  }
0xb2: {  	[dreg:$0x1] =	wrdreg $0xFFFFFFFF  }
0xb3: {  	[dreg:$0x0] =	wrdreg $0x60  }
0xb4: {  	[dreg:$0x2] =	wrdreg s17  }
0xb5: {  	[dreg:$0x3] =	wrdreg s24  }
0xb6: {  	[dreg:$0x4] =	wrdreg s16  }
0xb7: {  	[dreg:$0x5] =	wrdreg $0x9  }
0xb8: {  	_ =	task.clear_ibuf [dreg:s8], $0x6FFFF;
	_ =	strace $0x90000046  }
0xb9: {  	s29 =	simm.s32 $0x9;
	_ =	strace $0x80000048  }
0xba: {  	_ =	swait.ge [sflag:s29], $0x1  }
0xbb: {  	[sflag:s29] =	ssyncadd.s32 $0xFFFFFFFF  }
0xbc: {  	_ =	strace $0x90000048  }
0xbd: {  	_ =	sfence  }
0xbe: {  	s30 =	sld [smem:$0x0];
	_ =	sdelay $0x2  }
0xbf: {  	s31 =	sshll.u32 s1, $0xD;
	s1 =	sshrl.u32 s1, $0x2  }
0xc0: {  	s3 =	sand.u32 $0x4000, s31;
	s1 =	sadd.s32 s1, s30  }
0xc1: {  	s0 =	sor.u32 s3, s0;
	s1 =	sshll.u32 s1, $0x11  }
0xc2: {  	s0 =	sor.u32 s1, s0  }
0xc3: {  	s0 =	sadd.s32 $0x8F2B, s0  }
0xc4: {  	[sflag:s0] =	ssyncadd.remote.s32 $0x1  }
0xc5: {  	_ =	sfence.sel $0xFFFF  }
0xc6: {  	[dreg:$0x0] =	wrdreg $0xFFFFFFFF;
	(pc) =	sbr.abs _section_cstart, $3  }
0xc7: {  	[dreg:$0x1] =	wrdreg $0xFFFFFFFF  }
0xc8: {  	_ =	task.clear_ibuf [dreg:s8], $0x2FFFF;
	_ =	strace $0x9FFFFFFF  }
0xc9: {  	(tm) =	ssettm $0x7FFFFFFF  }
tec
execute0_lowered:
.L_overlay_start_1:
0x0: {  	(tag) =	ssettag $0x1  }
0x1: {  	s0 =	rddreg [dreg:$0x0]  }
0x2: {  	s1 =	rddreg [dreg:$0x1]  }
0x3: {  	s8 =	rddreg [dreg:$0x2];
	s3 =	srdreg.scid  }
0x4: {  	s2 =	simm.s32 $0x0;
	s4 =	stileid.u32;
	s11 =	simm.s32 $0x2  }
0x5: {  	s12 =	simm.s32 $0x3200;
	s13 =	simm.s32 $0x1900;
	s14 =	simm.s32 $0x3338  }
0x6: {  	s15 =	simm.s32 $0x68;
	s16 =	simm.s32 $0x3398;
	s17 =	simm.s32 $0x60  }
0x7: {  	s18 =	simm.s32 $0x6798;
	s19 =	simm.s32 $0x9798;
	s20 =	simm.s32 $0x3268  }
0x8: {  	s6 =	sand.u32 $0x1, s3;
	s4 =	sshll.u32 s4, $0x6;
	s3 =	sadd.s32 $0x4C00, s1  }
0x9: {  	s7 =	sadd.s32 $0x126CC00, s1;
	s5 =	sshll.u32 s6, $0x5;
	s9 =	ssub.s32 $0x2, s6  }
0xa: {  	s6 =	sadd.s32 $0xF4CC00, s1;
	s4 =	sor.u32 s5, s4;
	s29 =	sshrl.u32 s9, $0x1  }
0xb: {  	s5 =	sadd.s32 $0xA00, s1;
	s10 =	smul.u32 $0x19, s4;
	s1 =	ssub.s32 s9, s29  }
0xc: {  	v0 =	vlaneseq.u32;
	s21 =	simm.s32 $0xCB98;
	[smem:$0x7FF] =	sst s2;
	s31 =	smax.u32 s1, $0x1  }
0xd: {  	v4 =	vmul.u32 $0x400, v0;
	_ =	strace $0x80000047;
	s0 =	sadd.s32 s0, s10;
	[dreg:$0x6] =	wrdreg s31  }
0xe: {  	v1 =	vimm.s32 $0x0;
	vm0 =	vcmask $0x3F20;
	s22 =	simm.s32 $0x1;
	v2 =	vshrl.u32 v0, $0x3;
	s30 =	sadd.s32 s8, s10;
	[dreg:$0x4] =	wrdreg s0  }
0xf: {  	s23 =	simm.s32 $0x32D0;
	s24 =	simm.s32 $0x0;
	v3 =	vadd.s32 $0xB8, v0;
	v5 =	vor.u32 $0x50, v0;
	v4 =	vadd.s32 $0x2E000, v4;
	[dreg:$0x5] =	wrdreg s30  }
.LBB2_1:
0x10: {  	s0 =	rddreg [dreg:$0x4]  }
0x11: {  	[tilespmem:s2], [sflag:$0x2] =	stream.linear.gather [hbm4b:s0+s2], $0x1900, $0x38;
	[tilespmem:$0xFB98] =	vst v63  }
0x12: {  	_ =	swait.ge [sflag:s11], $0x1900  }
0x13: {  	s9 =	simm.s32 $0x1900;
	[sflag:s11] =	ssyncset.done $0x0  }
0x14: {  	s26 =	simm.s32 $0x0;
	s28 =	simm.s32 $0x0;
	[sflag:s11] =	ssyncadd.s32 $0xFFFFE700  }
.LBB2_2:
0x15: {  	v6 =	vld [tilespmem:s26+$0x0];
	_ =	sdelay $0x4  }
0x16: {  	vm1 =	vne.s32 v6, $0x1  }
0x17: {  	v7 =	vsel vm1, $0x1, v1  }
0x18: {  	(xrf0) =	vadd.scan.msk.s32 $0xffff, v7;
	_ =	sdelay $0x1  }
0x19: {  	p0 =	por $0x0, $0x0;
	s30 =	simm.s32 $0x0  }
0x1a: {  	v8 =	vmov s30;
	v7 =	vlaneseq.u32 @p0  }
0x1b: {  	v10 =	vadd.s32 $0x1, v8;
	v9 =	vadd.s32 @p0 $0xFFFFFF98, v7  }
0x1c: {  	v11 =	vor.u32 s30, v0;
	v10 =	vbroadcast v10, $0x0;
	v8 =	vadd.s32 @p0 v9, v8  }
0x1d: {  	v7 =	vand.u32 @p0 $0x7, v7;
	v9 =	vlaneseq.u32 @!p0;
	v8 =	vand.u32 @p0 $0xFFFFFFF8, v8;
	v62, _, _ =	vpop (xrf0)  }
0x1e: {  	v7 =	vor.u32 @p0 v7, v8;
	v8 =	vor.u32 @!p0 $0xFFFFFFF8, v9;
	(v2sf) =	vpush v62, $0xF  }
0x1f: {  	v8 =	vand.u32 @!p0 v8, v11;
	v10 =	vadd.s32 v62, v10  }
0x20: {  	s29 =	sor.u32 s4, s28;
	s31 =	simm.s32 $0x3200;
	vm2 =	veq.s32 v6, $0x1;
	v10 =	vnsel vm1, $0x1, v10  }
0x21: {  	v6 =	vmov s29;
	v63 =	vsel vm2, $0x1, v1;
	v11 =	vshll.u32 v11, $0xA;
	[tilespmem:s31+$0x0] =	vst v10  }
0x22: {  	s0 =	simm.s32 @p0 $0x3338;
	v10 =	vadd.s32 v6, v11;
	[tilespmem:s9+$0x0] =	vst v63  }
0x23: {  	s8 =	simm.s32 $0x0;
	s1 =	simm.s32 @!p0 $0x32D0;
	[tilespmem:v7+s0+$0x0] =	vst.idx.msk @p0 $0xffff, v10  }
0x24: {  	s25 =	smov.u32 s9;
	s0 =	simm.s32 $0x1;
	[tilespmem:v8+s1+$0x0] =	vst.idx.msk @!p0 $0xffff, v10;
	s1 =	sadd.s32 $0x10, s26  }
.LBB2_3:
0x25: {  	v7 =	vld [tilespmem:s1+$0x0];
	s10 =	smov.u32 s0;
	s0 =	sadd.s32 $0x1, s0  }
0x26: {  	p0 =	sne.s32 s0, $0xC;
	_ =	sdelay $0x3  }
0x27: {  	vm1 =	veq.s32 v7, $0x1;
	vm2 =	vne.s32 v7, $0x1  }
0x28: {  	v7 =	vsel vm2, $0x1, v1  }
0x29: {  	(xrf0) =	vadd.scan.msk.s32 $0xffff, v7  }
0x2a: {  	p1 =	sgt.u32 s10, $0x6;
	s10 =	spop (v2sf)  }
0x2b: {  	s8 =	sadd.s32 $0x10, s8;
	v7 =	vlaneseq.u32 @p1;
	s30 =	sadd.s32 s30, s10  }
0x2c: {  	v9 =	vmov s8;
	v10 =	vadd.s32 @p1 $0xFFFFFF98, v7;
	v8 =	vmov s30  }
0x2d: {  	v12 =	vlaneseq.u32 @!p1;
	v9 =	vadd.s32 @p1 v10, v9;
	v8 =	vadd.s32 $0x1, v8  }
0x2e: {  	v7 =	vand.u32 @p1 $0x7, v7;
	v9 =	vand.u32 @p1 $0xFFFFFFF8, v9;
	v8 =	vbroadcast v8, $0x0  }
0x2f: {  	v11 =	vor.u32 s8, v0;
	v7 =	vor.u32 @p1 v7, v9;
	v9 =	vor.u32 @!p1 $0xFFFFFFF8, v12;
	v10, _, _ =	vpop (xrf0)  }
0x30: {  	v9 =	vand.u32 @!p1 v9, v11;
	v8 =	vadd.s32 v10, v8;
	(v2sf) =	vpush v10, $0xF  }
0x31: {  	s31 =	sadd.s32 $0x10, s31;
	v8 =	vnsel vm2, $0x1, v8  }
.Ltmp0:
0x32: {  	s25 =	sadd.s32 $0x10, s25;
	v10 =	vshll.u32 v11, $0xA;
	[tilespmem:s31+$0x0] =	vst v8;
	v8 =	vsel vm1, $0x1, v1;
	(pc) =	sbr.rel @p0 .LBB2_3-.Ltmp0, $4  }
0x33: {  	s10 =	simm.s32 @p1 $0x3338;
	[tilespmem:s25+$0x0] =	vst v8;
	v8 =	vadd.s32 v6, v10  }
0x34: {  	[tilespmem:v7+s10+$0x0] =	vst.idx.msk @p1 $0xffff, v8;
	s10 =	simm.s32 @!p1 $0x32D0  }
0x35: {  	[tilespmem:v9+s10+$0x0] =	vst.idx.msk @!p1 $0xffff, v8  }
0x36: {  	s1 =	sadd.s32 $0x10, s1  }
0x37: {  	s0 =	smul.u32 $0x320, s28;
	_ =	sdelay $0x1  }
0x38: {  	s0 =	sshra.s32 s0, $0x2  }
0x39: {  	v7 =	vld [tilespmem:s0+$0xB8];
	_ =	sdelay $0x4  }
0x3a: {  	vm1 =	veq.s32 v7, $0x1  }
0x3b: {  	v7 =	vsel vm1, $0x0, v2  }
0x3c: {  	(xrf0) =	vadd.scan.msk.s32 $0xffff, v7;
	v7 =	vmov s28  }
0x3d: {  	s1 =	spop (v2sf);
	v7 =	vmul.u32 $0xC8, v7  }
0x3e: {  	s1 =	sadd.s32 s30, s1  }
0x3f: {  	v8 =	vmov s1;
	v7 =	vbroadcast v7, $0x0  }
0x40: {  	v8 =	vadd.s32 $0x1, v8  }
0x41: {  	v8 =	vbroadcast v8, $0x0;
	v7 =	vadd.s32 v3, v7  }
0x42: {  	v9, _, _ =	vpop (xrf0)  }
0x43: {  	v8 =	vadd.s32 v9, v8  }
0x44: {  	v8 =	vsel vm1, $0x1, v8  }
0x45: {  	v63 =	vsel vm1, $0x1, v1;
	[tilespmem:v3+s12+$0x0] =	vst.idx.msk vm0, v8  }
0x46: {  	v6 =	vor.u32 v4, v6;
	[tilespmem:v7+s13+$0x0] =	vst.idx.msk vm0, v63  }
0x47: {  	[tilespmem:v5+s14+$0x0] =	vst.idx.msk vm0, v6  }
0x48: {  	[tilespmem:s16], [sflag:$0x1] =	stream.indirect.gather [hbm4b:s3+s15], $0x80, s0, s15, $0xb8;
	[tilespmem:$0xFB98] =	vst v63  }
0x49: {  	s0 =	sadd.s32 $0x68, s0  }
0x4a: {  	[tilespmem:s18], [sflag:$0x1] =	stream.indirect.gather [hbm4b:s3+s17], $0x80, s0, s17, $0xb8;
	[tilespmem:$0xFB98] =	vst v63  }
0x4b: {  	_ = 	snop  }
0x4c: {  	[tilespmem:s19], [sflag:$0x1] =	stream.indirect.gather [hbm4b:s5+s15], $0x80, s12, s15, $0xb8;
	[tilespmem:$0xFB98] =	vst v63  }
0x4d: {  	_ = 	snop  }
0x4e: {  	[tilespmem:s21], [sflag:$0x1] =	stream.indirect.gather [hbm4b:s5+s17], $0x80, s20, s17, $0xb8;
	[tilespmem:$0xFB98] =	vst v63  }
0x4f: {  	_ =	swait.ge [sflag:s22], $0x3400  }
0x50: {  	[sflag:s22] =	ssyncset.done $0x0  }
0x51: {  	[sflag:s22] =	ssyncadd.s32 $0xFFFFCC00  }
0x52: {  	_ =	swait.ge [sflag:s22], $0x3000  }
0x53: {  	[sflag:s22] =	ssyncset.done $0x0  }
0x54: {  	[sflag:s22] =	ssyncadd.s32 $0xFFFFD000  }
0x55: {  	_ =	swait.ge [sflag:s22], $0x3400  }
0x56: {  	[sflag:s22] =	ssyncset.done $0x0  }
0x57: {  	[sflag:s22] =	ssyncadd.s32 $0xFFFFCC00  }
0x58: {  	s31 =	smul.u32 $0xC80, s29;
	_ =	swait.ge [sflag:s22], $0x3000  }
0x59: {  	[sflag:s22] =	ssyncset.done $0x0  }
0x5a: {  	s0 =	sadd.s32 s7, s31;
	[sflag:s22] =	ssyncadd.s32 $0xFFFFD000  }
0x5b: {  	[hbm4b:s0+s2] =	stream.linear.scatter [tilespmem:s19], [sflag:$0x2], $0x6400, $0x38;
	[tilespmem:$0xFB98] =	vst v63  }
0x5c: {  	_ =	swait.ge [sflag:s11], $0x6400  }
0x5d: {  	[sflag:s11] =	ssyncset.done $0x0  }
0x5e: {  	[sflag:s11] =	ssyncadd.s32 $0xFFFF9C00  }
0x5f: {  	[hbm4b:s6+s15] =	stream.indirect.scatter [tilespmem:s16], [sflag:$0x1], $0x80, s23, s15, $0xb8;
	[tilespmem:$0xFB98] =	vst v63  }
0x60: {  	s28 =	sadd.s32 $0x1, s28  }
0x61: {  	[hbm4b:s6+s17] =	stream.indirect.scatter [tilespmem:s18], [sflag:$0x1], $0x80, s14, s17, $0xb8;
	[tilespmem:$0xFB98] =	vst v63  }
0x62: {  	p0 =	sne.s32 s28, $0x20;
	_ =	swait.ge [sflag:s22], $0x3400  }
.Ltmp1:
0x63: {  	[sflag:s22] =	ssyncset.done $0x0;
	(pc) =	sbr.rel @p0 .LBB2_2-.Ltmp1, $4  }
0x64: {  	[sflag:s22] =	ssyncadd.s32 $0xFFFFCC00  }
0x65: {  	_ =	swait.ge [sflag:s22], $0x3000  }
0x66: {  	[sflag:s22] =	ssyncset.done $0x0  }
0x67: {  	s26 =	sadd.s32 $0xC8, s26;
	s9 =	sadd.s32 $0xC8, s9;
	[sflag:s22] =	ssyncadd.s32 $0xFFFFD000  }
0x68: {  	s0 =	rddreg [dreg:$0x5]  }
0x69: {  	[hbm4b:s0+s2] =	stream.linear.scatter [tilespmem:s13], [sflag:$0x2], $0x1900, $0x38;
	[tilespmem:$0xFB98] =	vst v63  }
0x6a: {  	_ =	swait.ge [sflag:s11], $0x1900  }
0x6b: {  	s24 =	sadd.s32 $0x1, s24;
	s31 =	rddreg [dreg:$0x6]  }
0x6c: {  	p0 =	sne.s32 s24, s31  }
.Ltmp2:
0x6d: {  	_ = 	snop;
	(pc) =	sbr.rel @p0 .LBB2_1-.Ltmp2, $3  }
0x6e: {  	_ =	sdelay $0x1  }
0x6f: {  	[sflag:s11] =	ssyncset.done $0x0  }
0x70: {  	[sflag:s11] =	ssyncadd.s32 $0xFFFFE700  }
0x71: {  	_ =	sfence.sel $0x180000  }
0x72: {  	[bflag:$0x0] =	sbarrier.arrive $0xFFFF  }
0x73: {  	_ =	strace $0x90000047  }
0x74: {  	s0 =	stileid.u32;
	[bflag:$0x2] =	sbarrier.arrive $0xFFFF  }
0x75: {  	p0 =	sne.s32 s0, $0x0;
	s0 =	rddreg [dreg:$0x3]  }
0x76: {  	s0 =	sadd.s32 @!p0 $0x100000, s0  }
0x77: {  	[sflag:s0] =	ssyncadd.tile.s32 @!p0 $0x1;
	_ =	shalt  }
.Lfunc_end2:
_tile_overlayer_lowered:
.L_overlay_start_2:
0x78: {  	(tag) =	ssettag $0x2  }
0x79: {  	s0 =	rddreg [dreg:$0x0];
	s2 =	stileid.u32  }
0x7a: {  	s1 =	rddreg [dreg:$0x1];
	p0 =	sne.s32 s2, $0x0  }
0x7b: {  	s3 =	rddreg [dreg:$0x2];
	[bflag:$0x3] =	sbarrier.arrive $0xFFFF;
	s2 =	simm.s32 @!p0 $0x1C02  }
0x7c: {  	[timem:s3], [sflag:s2] =	dma.local @!p0 [hbm:s0], s1  }
0x7d: {  	s0 =	simm.s32 @!p0 $0x2  }
0x7e: {  	_ =	swait.ge @!p0 [sflag:s0], s1  }
0x7f: {  	s1 =	ssub.s32 @!p0 $0x0, s1;
	[sflag:s0] =	ssyncset.done @!p0 $0x0  }
0x80: {  	[sflag:s0] =	ssyncadd.s32 @!p0 s1  }
0x81: {  	[bflag:$0x3] =	sbarrier.arrive $0xFFFF  }
0x82: {  	_ =	shalt  }

</sc_bundles>
